<compile_context>
chip_gen: v7x
topology: tpu7x:2x2x1
jax: 0.10.2.dev20260603
libtpu: 0.0.44.dev20260713+nightly
codegen_flags: <defaults>
</compile_context>

<pallas_src>
import jax
import jax.numpy as jnp
from jax import lax
from jax.experimental import pallas as pl
from jax.experimental.pallas import tpu as pltpu
from jax.experimental.pallas import tpu_sc as plsc

DIM = 33
H, W = 1080, 1920
N = H * W
LUTC = DIM * DIM * DIM
NW = 32
PER_W = N // NW
CHUNK = 1296
NCHUNK = PER_W // CHUNK
VPC = CHUNK // 16


def _tec_body(x_hbm, lut_hbm, out_hbm, lut_v, ib, ob,
              isem0, isem1, osem0, osem1, lsem):
    wid = lax.axis_index("s") * 2 + lax.axis_index("c")
    base_w = wid * PER_W

    isems = (isem0, isem1)
    osems = (osem0, osem1)

    lut_copy = pltpu.async_copy(lut_hbm, lut_v, lsem)

    scale = jnp.float32(DIM - 1)

    def in_start(ci, b):
        base = base_w + ci * CHUNK
        for c in range(3):
            pltpu.async_copy(x_hbm.at[pl.ds(c * N + base, CHUNK)],
                             ib.at[pl.ds((b * 3 + c) * CHUNK, CHUNK)], isems[b])

    def in_wait(b):
        pltpu.make_async_copy(x_hbm.at[pl.ds(0, 3 * CHUNK)],
                              ib.at[pl.ds(b * 3 * CHUNK, 3 * CHUNK)],
                              isems[b]).wait()

    def out_start(ci, b):
        base = base_w + ci * CHUNK
        for c in range(3):
            pltpu.async_copy(ob.at[pl.ds((b * 3 + c) * CHUNK, CHUNK)],
                             out_hbm.at[pl.ds(c * N + base, CHUNK)], osems[b])

    def out_wait(b):
        pltpu.make_async_copy(ob.at[pl.ds(b * 3 * CHUNK, 3 * CHUNK)],
                              out_hbm.at[pl.ds(0, 3 * CHUNK)], osems[b]).wait()

    in_start(0, 0)
    in_start(1, 1)
    lut_copy.wait()

    def pair_body(p, _):
        for b in range(2):
            ci = 2 * p + b
            in_wait(b)

            @pl.when(ci >= 2)
            def _():
                out_wait(b)

            @plsc.parallel_loop(0, VPC, 1, unroll=1)
            def vec_body(i):
                off = i * 16
                r = ib[pl.ds(b * 3 * CHUNK + off, 16)]
                g = ib[pl.ds((b * 3 + 1) * CHUNK + off, 16)]
                bl = ib[pl.ds((b * 3 + 2) * CHUNK + off, 16)]

                def coord(v):
                    iv = v * scale
                    i0 = jnp.minimum(iv.astype(jnp.int32), DIM - 2)
                    fv = iv - i0.astype(jnp.float32)
                    return i0, fv

                x0, fx = coord(r)
                y0, fy = coord(g)
                z0, fz = coord(bl)

                i000 = (z0 * DIM + y0) * DIM + x0
                i001 = i000 + 1
                i010 = i000 + DIM
                i011 = i000 + (DIM + 1)
                i100 = i000 + DIM * DIM
                i101 = i000 + (DIM * DIM + 1)
                i110 = i000 + (DIM * DIM + DIM)
                i111 = i000 + (DIM * DIM + DIM + 1)

                ux = 1.0 - fx
                uy = 1.0 - fy
                uz = 1.0 - fz
                wy0z0 = uy * uz
                wy1z0 = fy * uz
                wy0z1 = uy * fz
                wy1z1 = fy * fz
                w000 = ux * wy0z0
                w001 = fx * wy0z0
                w010 = ux * wy1z0
                w011 = fx * wy1z0
                w100 = ux * wy0z1
                w101 = fx * wy0z1
                w110 = ux * wy1z1
                w111 = fx * wy1z1

                def interp(coff):
                    c000 = plsc.load_gather(lut_v, [i000 + coff])
                    c001 = plsc.load_gather(lut_v, [i001 + coff])
                    c010 = plsc.load_gather(lut_v, [i010 + coff])
                    c011 = plsc.load_gather(lut_v, [i011 + coff])
                    c100 = plsc.load_gather(lut_v, [i100 + coff])
                    c101 = plsc.load_gather(lut_v, [i101 + coff])
                    c110 = plsc.load_gather(lut_v, [i110 + coff])
                    c111 = plsc.load_gather(lut_v, [i111 + coff])
                    s00 = c000 * w000 + c001 * w001
                    s01 = c010 * w010 + c011 * w011
                    s10 = c100 * w100 + c101 * w101
                    s11 = c110 * w110 + c111 * w111
                    return (s00 + s01) + (s10 + s11)

                ob[pl.ds(b * 3 * CHUNK + off, 16)] = interp(0)
                ob[pl.ds((b * 3 + 1) * CHUNK + off, 16)] = interp(LUTC)
                ob[pl.ds((b * 3 + 2) * CHUNK + off, 16)] = interp(2 * LUTC)

            out_start(ci, b)

            @pl.when(ci + 2 < NCHUNK)
            def _():
                in_start(ci + 2, b)
        return 0

    lax.fori_loop(0, NCHUNK // 2, pair_body, 0, unroll=False)
    out_wait(0)
    out_wait(1)


@jax.jit
def kernel(x, lut):
    xf = x.reshape(3 * N)
    lutf = lut.reshape(3 * LUTC)
    run = pl.kernel(
        _tec_body,
        out_type=jax.ShapeDtypeStruct((3 * N,), jnp.float32),
        mesh=plsc.VectorSubcoreMesh(core_axis_name="c", subcore_axis_name="s"),
        scratch_types=[
            pltpu.VMEM((3 * LUTC,), jnp.float32),
            pltpu.VMEM((2 * 3 * CHUNK,), jnp.float32),
            pltpu.VMEM((2 * 3 * CHUNK,), jnp.float32),
            pltpu.SemaphoreType.DMA,
            pltpu.SemaphoreType.DMA,
            pltpu.SemaphoreType.DMA,
            pltpu.SemaphoreType.DMA,
            pltpu.SemaphoreType.DMA,
        ],
        compiler_params=pltpu.CompilerParams(
            needs_layout_passes=False,
            skip_device_barrier=True,
            disable_bounds_checks=True,
            disable_semaphore_checks=True,
        ),
    )
    out = run(xf, lutf)
    return out.reshape(1, 3, H, W)

# --- scband reference (transcript-rebuilt; emitter-appended) ---
"""Pipeline reference for scband-trilinear-lut-84421877170804 (READ-ONLY COPY).

The authoritative reference and input builder live on the scoring server;
editing this copy changes nothing except your own understanding.
"""

import jax, jax.numpy as jnp
import numpy as np

DIM = 33

def setup_inputs(seed: int = 0) -> dict:
    key = jax.random.key(seed)
    x = jax.random.uniform(jax.random.fold_in(key, 0), (1, 3, 1080, 1920), dtype=jnp.float32)
    lin = np.linspace(0.0, 1.0, DIM).astype(np.float32)
    r, g, b = np.meshgrid(lin, lin, lin, indexing='ij')
    lut = np.stack([r, g, b], axis=-1).transpose(3, 0, 1, 2)[None]  # [1,3,D,D,D]
    return {"x": x, "lut": jnp.asarray(lut)}

def _grid_sample_3d_border(vol, grid):
    # vol: [C, D, H, W]; grid: [Ho, Wo, 3] in [-1,1] with (x,y,z) order, align_corners=True, border padding
    C, D, H, W = vol.shape
    gx, gy, gz = grid[..., 0], grid[..., 1], grid[..., 2]
    ix = jnp.clip((gx + 1.0) * 0.5 * (W - 1), 0.0, W - 1)
    iy = jnp.clip((gy + 1.0) * 0.5 * (H - 1), 0.0, H - 1)
    iz = jnp.clip((gz + 1.0) * 0.5 * (D - 1), 0.0, D - 1)
    ix0 = jnp.floor(ix); iy0 = jnp.floor(iy); iz0 = jnp.floor(iz)
    ix1 = jnp.clip(ix0 + 1.0, 0.0, W - 1); iy1 = jnp.clip(iy0 + 1.0, 0.0, H - 1); iz1 = jnp.clip(iz0 + 1.0, 0.0, D - 1)
    wx = ix - ix0; wy = iy - iy0; wz = iz - iz0
    x0 = ix0.astype(jnp.int32); x1 = ix1.astype(jnp.int32)
    y0 = iy0.astype(jnp.int32); y1 = iy1.astype(jnp.int32)
    z0 = iz0.astype(jnp.int32); z1 = iz1.astype(jnp.int32)
    def gather(zi, yi, xi):
        return vol[:, zi, yi, xi]  # [C, Ho, Wo]
    c000 = gather(z0, y0, x0); c001 = gather(z0, y0, x1)
    c010 = gather(z0, y1, x0); c011 = gather(z0, y1, x1)
    c100 = gather(z1, y0, x0); c101 = gather(z1, y0, x1)
    c110 = gather(z1, y1, x0); c111 = gather(z1, y1, x1)
    wx = wx[None]; wy = wy[None]; wz = wz[None]
    c00 = c000 * (1.0 - wx) + c001 * wx
    c01 = c010 * (1.0 - wx) + c011 * wx
    c10 = c100 * (1.0 - wx) + c101 * wx
    c11 = c110 * (1.0 - wx) + c111 * wx
    c0 = c00 * (1.0 - wy) + c01 * wy
    c1 = c10 * (1.0 - wy) + c11 * wy
    return c0 * (1.0 - wz) + c1 * wz  # [C, Ho, Wo]

def reference(x, lut):
    # matches: grid = x.permute(0,2,3,1)*2-1 ; grid.unsqueeze(1) ; grid_sample(lut, grid, bilinear, border, align_corners=True) ; out.squeeze(2)
    grid = jnp.transpose(x[0], (1, 2, 0)) * 2.0 - 1.0  # [H, W, 3]
    out = _grid_sample_3d_border(lut[0], grid)  # [3, H, W]
    return out[None]  # [1, 3, H, W]

if __name__ == "__main__":
    import jax
    _d = setup_inputs()
    print(jax.jit(kernel)(*tuple(_d.values())))

</pallas_src>

<mosaic_0001>
#map = affine_map<(d0, d1) -> (0)>
module attributes {stable_mosaic.version = 14 : i64} {
  func.func @_tec_body(%arg0: i32, %arg1: i32, %arg2: memref<6220800xf32, #tpu.memory_space<hbm>>, %arg3: memref<107811xf32, #tpu.memory_space<hbm>>, %arg4: memref<6220800xf32, #tpu.memory_space<hbm>>, %arg5: memref<107811xf32, #tpu.memory_space<vmem>>, %arg6: memref<7776xf32, #tpu.memory_space<vmem>>, %arg7: memref<7776xf32, #tpu.memory_space<vmem>>, %arg8: memref<!tpu.dma_semaphore, #tpu.memory_space<semaphore_mem>>, %arg9: memref<!tpu.dma_semaphore, #tpu.memory_space<semaphore_mem>>, %arg10: memref<!tpu.dma_semaphore, #tpu.memory_space<semaphore_mem>>, %arg11: memref<!tpu.dma_semaphore, #tpu.memory_space<semaphore_mem>>, %arg12: memref<!tpu.dma_semaphore, #tpu.memory_space<semaphore_mem>>) attributes {dimension_semantics = [#tpu.dimension_semantics<core_parallel>, #tpu.dimension_semantics<subcore_parallel>], iteration_bounds = array<i64: 2, 16>, scalar_prefetch = 0 : i64, scratch_operands = 8 : i64, tpu.core_type = #tpu.core_type<sc_vector_subcore>, window_params = [{transform_indices = #map}, {transform_indices = #map}, {transform_indices = #map}]} {
    %mul3A = arith.constant 2 : i32
    %mul3A_0 = arith.muli %arg1, %mul3A : i32
    %add3A = arith.addi %mul3A_0, %arg0 : i32
    %mul3A_1 = arith.constant 64800 : i32
    %mul3A_2 = arith.muli %add3A, %mul3A_1 : i32
    tpu.enqueue_dma source(%arg3 : memref<107811xf32, #tpu.memory_space<hbm>>) target(%arg5 : memref<107811xf32, #tpu.memory_space<vmem>>) target_semaphore(%arg12 : memref<!tpu.dma_semaphore, #tpu.memory_space<semaphore_mem>>)
    %add3A_3 = arith.constant 0 : i32
    %add3A_4 = arith.addi %mul3A_2, %add3A_3 : i32
    %add3A_5 = arith.constant 0 : i32
    %add3A_6 = arith.addi %add3A_5, %add3A_4 : i32
    %dma_start3A = arith.constant 0 : i32
    %dma_start3A_7 = tpu.memref_slice %arg6[%dma_start3A] : memref<7776xf32, #tpu.memory_space<vmem>> -> memref<1296xf32, #tpu.memory_space<vmem>>
    %dma_start3A_8 = tpu.memref_slice %arg2[%add3A_6] : memref<6220800xf32, #tpu.memory_space<hbm>> -> memref<1296xf32, #tpu.memory_space<hbm>>
    %dma_start3A_9 = arith.constant 0 : i32
    %dma_start3A_10 = tpu.memref_slice %arg6[%dma_start3A_9] : memref<7776xf32, #tpu.memory_space<vmem>> -> memref<1296xf32, #tpu.memory_space<vmem>>
    %dma_start3A_11 = tpu.memref_slice %arg2[%add3A_6] : memref<6220800xf32, #tpu.memory_space<hbm>> -> memref<1296xf32, #tpu.memory_space<hbm>>
    tpu.enqueue_dma source(%dma_start3A_11 : memref<1296xf32, #tpu.memory_space<hbm>>) target(%dma_start3A_10 : memref<1296xf32, #tpu.memory_space<vmem>>) target_semaphore(%arg8 : memref<!tpu.dma_semaphore, #tpu.memory_space<semaphore_mem>>)
    %add3A_12 = arith.constant 2073600 : i32
    %add3A_13 = arith.addi %add3A_12, %add3A_4 : i32
    %dma_start3A_14 = arith.constant 1296 : i32
    %dma_start3A_15 = tpu.memref_slice %arg6[%dma_start3A_14] : memref<7776xf32, #tpu.memory_space<vmem>> -> memref<1296xf32, #tpu.memory_space<vmem>>
    %dma_start3A_16 = tpu.memref_slice %arg2[%add3A_13] : memref<6220800xf32, #tpu.memory_space<hbm>> -> memref<1296xf32, #tpu.memory_space<hbm>>
    %dma_start3A_17 = arith.constant 1296 : i32
    %dma_start3A_18 = tpu.memref_slice %arg6[%dma_start3A_17] : memref<7776xf32, #tpu.memory_space<vmem>> -> memref<1296xf32, #tpu.memory_space<vmem>>
    %dma_start3A_19 = tpu.memref_slice %arg2[%add3A_13] : memref<6220800xf32, #tpu.memory_space<hbm>> -> memref<1296xf32, #tpu.memory_space<hbm>>
    tpu.enqueue_dma source(%dma_start3A_19 : memref<1296xf32, #tpu.memory_space<hbm>>) target(%dma_start3A_18 : memref<1296xf32, #tpu.memory_space<vmem>>) target_semaphore(%arg8 : memref<!tpu.dma_semaphore, #tpu.memory_space<semaphore_mem>>)
    %add3A_20 = arith.constant 4147200 : i32
    %add3A_21 = arith.addi %add3A_20, %add3A_4 : i32
    %dma_start3A_22 = arith.constant 2592 : i32
    %dma_start3A_23 = tpu.memref_slice %arg6[%dma_start3A_22] : memref<7776xf32, #tpu.memory_space<vmem>> -> memref<1296xf32, #tpu.memory_space<vmem>>
    %dma_start3A_24 = tpu.memref_slice %arg2[%add3A_21] : memref<6220800xf32, #tpu.memory_space<hbm>> -> memref<1296xf32, #tpu.memory_space<hbm>>
    %dma_start3A_25 = arith.constant 2592 : i32
    %dma_start3A_26 = tpu.memref_slice %arg6[%dma_start3A_25] : memref<7776xf32, #tpu.memory_space<vmem>> -> memref<1296xf32, #tpu.memory_space<vmem>>
    %dma_start3A_27 = tpu.memref_slice %arg2[%add3A_21] : memref<6220800xf32, #tpu.memory_space<hbm>> -> memref<1296xf32, #tpu.memory_space<hbm>>
    tpu.enqueue_dma source(%dma_start3A_27 : memref<1296xf32, #tpu.memory_space<hbm>>) target(%dma_start3A_26 : memref<1296xf32, #tpu.memory_space<vmem>>) target_semaphore(%arg8 : memref<!tpu.dma_semaphore, #tpu.memory_space<semaphore_mem>>)
    %add3A_28 = arith.constant 1296 : i32
    %add3A_29 = arith.addi %mul3A_2, %add3A_28 : i32
    %add3A_30 = arith.constant 0 : i32
    %add3A_31 = arith.addi %add3A_30, %add3A_29 : i32
    %dma_start3A_32 = arith.constant 3888 : i32
    %dma_start3A_33 = tpu.memref_slice %arg6[%dma_start3A_32] : memref<7776xf32, #tpu.memory_space<vmem>> -> memref<1296xf32, #tpu.memory_space<vmem>>
    %dma_start3A_34 = tpu.memref_slice %arg2[%add3A_31] : memref<6220800xf32, #tpu.memory_space<hbm>> -> memref<1296xf32, #tpu.memory_space<hbm>>
    %dma_start3A_35 = arith.constant 3888 : i32
    %dma_start3A_36 = tpu.memref_slice %arg6[%dma_start3A_35] : memref<7776xf32, #tpu.memory_space<vmem>> -> memref<1296xf32, #tpu.memory_space<vmem>>
    %dma_start3A_37 = tpu.memref_slice %arg2[%add3A_31] : memref<6220800xf32, #tpu.memory_space<hbm>> -> memref<1296xf32, #tpu.memory_space<hbm>>
    tpu.enqueue_dma source(%dma_start3A_37 : memref<1296xf32, #tpu.memory_space<hbm>>) target(%dma_start3A_36 : memref<1296xf32, #tpu.memory_space<vmem>>) target_semaphore(%arg9 : memref<!tpu.dma_semaphore, #tpu.memory_space<semaphore_mem>>)
    %add3A_38 = arith.constant 2073600 : i32
    %add3A_39 = arith.addi %add3A_38, %add3A_29 : i32
    %dma_start3A_40 = arith.constant 5184 : i32
    %dma_start3A_41 = tpu.memref_slice %arg6[%dma_start3A_40] : memref<7776xf32, #tpu.memory_space<vmem>> -> memref<1296xf32, #tpu.memory_space<vmem>>
    %dma_start3A_42 = tpu.memref_slice %arg2[%add3A_39] : memref<6220800xf32, #tpu.memory_space<hbm>> -> memref<1296xf32, #tpu.memory_space<hbm>>
    %dma_start3A_43 = arith.constant 5184 : i32
    %dma_start3A_44 = tpu.memref_slice %arg6[%dma_start3A_43] : memref<7776xf32, #tpu.memory_space<vmem>> -> memref<1296xf32, #tpu.memory_space<vmem>>
    %dma_start3A_45 = tpu.memref_slice %arg2[%add3A_39] : memref<6220800xf32, #tpu.memory_space<hbm>> -> memref<1296xf32, #tpu.memory_space<hbm>>
    tpu.enqueue_dma source(%dma_start3A_45 : memref<1296xf32, #tpu.memory_space<hbm>>) target(%dma_start3A_44 : memref<1296xf32, #tpu.memory_space<vmem>>) target_semaphore(%arg9 : memref<!tpu.dma_semaphore, #tpu.memory_space<semaphore_mem>>)
    %add3A_46 = arith.constant 4147200 : i32
    %add3A_47 = arith.addi %add3A_46, %add3A_29 : i32
    %dma_start3A_48 = arith.constant 6480 : i32
    %dma_start3A_49 = tpu.memref_slice %arg6[%dma_start3A_48] : memref<7776xf32, #tpu.memory_space<vmem>> -> memref<1296xf32, #tpu.memory_space<vmem>>
    %dma_start3A_50 = tpu.memref_slice %arg2[%add3A_47] : memref<6220800xf32, #tpu.memory_space<hbm>> -> memref<1296xf32, #tpu.memory_space<hbm>>
    %dma_start3A_51 = arith.constant 6480 : i32
    %dma_start3A_52 = tpu.memref_slice %arg6[%dma_start3A_51] : memref<7776xf32, #tpu.memory_space<vmem>> -> memref<1296xf32, #tpu.memory_space<vmem>>
    %dma_start3A_53 = tpu.memref_slice %arg2[%add3A_47] : memref<6220800xf32, #tpu.memory_space<hbm>> -> memref<1296xf32, #tpu.memory_space<hbm>>
    tpu.enqueue_dma source(%dma_start3A_53 : memref<1296xf32, #tpu.memory_space<hbm>>) target(%dma_start3A_52 : memref<1296xf32, #tpu.memory_space<vmem>>) target_semaphore(%arg9 : memref<!tpu.dma_semaphore, #tpu.memory_space<semaphore_mem>>)
    tpu.wait_dma2 semaphore(%arg12 : memref<!tpu.dma_semaphore, #tpu.memory_space<semaphore_mem>>) src(%arg3 : memref<107811xf32, #tpu.memory_space<hbm>>) dst(%arg5 : memref<107811xf32, #tpu.memory_space<vmem>>)
    %scan3A = arith.constant 3.200000e+01 : f32
    %scan3A_54 = arith.constant 0 : i32
    %scan3A_55 = arith.constant 0 : i32
    %scan3A_56 = arith.constant 25 : i32
    %scan3A_57 = arith.addi %scan3A_55, %scan3A_56 : i32
    %scan3A_58 = arith.constant 1 : i32
    %scan3A_59 = scf.for %scan3A_76 = %scan3A_55 to %scan3A_57 step %scan3A_58 iter_args(%scan3A_77 = %scan3A_54) -> (i32)  : i32 {
      %mul3A_78 = arith.constant 2 : i32
      %mul3A_79 = arith.muli %mul3A_78, %scan3A_76 : i32
      %add3A_80 = arith.constant 0 : i32
      %add3A_81 = arith.addi %mul3A_79, %add3A_80 : i32
      %dma_wait3A_82 = arith.constant 0 : i32
      %dma_wait3A_83 = tpu.memref_slice %arg6[%dma_wait3A_82] : memref<7776xf32, #tpu.memory_space<vmem>> -> memref<3888xf32, #tpu.memory_space<vmem>>
      %dma_wait3A_84 = arith.constant 0 : i32
      %dma_wait3A_85 = tpu.memref_slice %arg2[%dma_wait3A_84] : memref<6220800xf32, #tpu.memory_space<hbm>> -> memref<3888xf32, #tpu.memory_space<hbm>>
      %dma_wait3A_86 = arith.constant 0 : i32
      %dma_wait3A_87 = tpu.memref_slice %arg6[%dma_wait3A_86] : memref<7776xf32, #tpu.memory_space<vmem>> -> memref<3888xf32, #tpu.memory_space<vmem>>
      %dma_wait3A_88 = arith.constant 0 : i32
      %dma_wait3A_89 = tpu.memref_slice %arg2[%dma_wait3A_88] : memref<6220800xf32, #tpu.memory_space<hbm>> -> memref<3888xf32, #tpu.memory_space<hbm>>
      tpu.wait_dma2 semaphore(%arg8 : memref<!tpu.dma_semaphore, #tpu.memory_space<semaphore_mem>>) src(%dma_wait3A_89 : memref<3888xf32, #tpu.memory_space<hbm>>) dst(%dma_wait3A_87 : memref<3888xf32, #tpu.memory_space<vmem>>)
      %ge3A = arith.constant 2 : i32
      %ge3A_90 = arith.cmpi sge, %add3A_81, %ge3A : i32
      %convert_element_type3A = arith.extui %ge3A_90 : i1 to i32
      %cond3A = arith.constant 0 : i32
      %cond3A_91 = arith.cmpi ne, %convert_element_type3A, %cond3A : i32
      scf.if %cond3A_91 {
        %dma_wait3A_182 = arith.constant 0 : i32
        %dma_wait3A_183 = tpu.memref_slice %arg7[%dma_wait3A_182] : memref<7776xf32, #tpu.memory_space<vmem>> -> memref<3888xf32, #tpu.memory_space<vmem>>
        %dma_wait3A_184 = arith.constant 0 : i32
        %dma_wait3A_185 = tpu.memref_slice %arg4[%dma_wait3A_184] : memref<6220800xf32, #tpu.memory_space<hbm>> -> memref<3888xf32, #tpu.memory_space<hbm>>
        %dma_wait3A_186 = arith.constant 0 : i32
        %dma_wait3A_187 = tpu.memref_slice %arg4[%dma_wait3A_186] : memref<6220800xf32, #tpu.memory_space<hbm>> -> memref<3888xf32, #tpu.memory_space<hbm>>
        %dma_wait3A_188 = arith.constant 0 : i32
        %dma_wait3A_189 = tpu.memref_slice %arg7[%dma_wait3A_188] : memref<7776xf32, #tpu.memory_space<vmem>> -> memref<3888xf32, #tpu.memory_space<vmem>>
        tpu.wait_dma2 semaphore(%arg10 : memref<!tpu.dma_semaphore, #tpu.memory_space<semaphore_mem>>) src(%dma_wait3A_189 : memref<3888xf32, #tpu.memory_space<vmem>>) dst(%dma_wait3A_187 : memref<3888xf32, #tpu.memory_space<hbm>>)
      } else {
      }
      %parallel_loop3A = arith.constant 0 : i32
      %parallel_loop3A_92 = arith.constant 81 : i32
      %parallel_loop3A_93 = arith.constant 1 : i32
      scf.for %parallel_loop3A_182 = %parallel_loop3A to %parallel_loop3A_92 step %parallel_loop3A_93  : i32 {
        %parallel_loop3A_183 = arith.constant 16 : i32
        %parallel_loop3A_184 = arith.muli %parallel_loop3A_182, %parallel_loop3A_183 : i32
        %parallel_loop3A_185 = arith.constant 0 : i32
        %parallel_loop3A_186 = arith.addi %parallel_loop3A_185, %parallel_loop3A_184 : i32
        %parallel_loop3A_187 = arith.index_cast %parallel_loop3A_186 : i32 to index
        %parallel_loop3A_188 = tpu.vector_load %arg6[%parallel_loop3A_187] {strides = array<i32>} : memref<7776xf32, #tpu.memory_space<vmem>>, vector<16xf32>,
        %parallel_loop3A_189 = arith.constant 1296 : i32
        %parallel_loop3A_190 = arith.addi %parallel_loop3A_189, %parallel_loop3A_184 : i32
        %parallel_loop3A_191 = arith.index_cast %parallel_loop3A_190 : i32 to index
        %parallel_loop3A_192 = tpu.vector_load %arg6[%parallel_loop3A_191] {strides = array<i32>} : memref<7776xf32, #tpu.memory_space<vmem>>, vector<16xf32>,
        %parallel_loop3A_193 = arith.constant 2592 : i32
        %parallel_loop3A_194 = arith.addi %parallel_loop3A_193, %parallel_loop3A_184 : i32
        %parallel_loop3A_195 = arith.index_cast %parallel_loop3A_194 : i32 to index
        %parallel_loop3A_196 = tpu.vector_load %arg6[%parallel_loop3A_195] {strides = array<i32>} : memref<7776xf32, #tpu.memory_space<vmem>>, vector<16xf32>,
        %parallel_loop3A_197 = vector.broadcast %scan3A : f32 to vector<16xf32>
        %parallel_loop3A_198 = arith.mulf %parallel_loop3A_188, %parallel_loop3A_197 : vector<16xf32>
        %parallel_loop3A_199 = arith.fptosi %parallel_loop3A_198 : vector<16xf32> to vector<16xi32>
        %parallel_loop3A_200 = arith.constant 31 : i32
        %parallel_loop3A_201 = vector.broadcast %parallel_loop3A_200 : i32 to vector<16xi32>
        %parallel_loop3A_202 = arith.minsi %parallel_loop3A_199, %parallel_loop3A_201 : vector<16xi32>
        %parallel_loop3A_203 = arith.sitofp %parallel_loop3A_202 : vector<16xi32> to vector<16xf32>
        %parallel_loop3A_204 = arith.subf %parallel_loop3A_198, %parallel_loop3A_203 : vector<16xf32>
        %parallel_loop3A_205 = vector.broadcast %scan3A : f32 to vector<16xf32>
        %parallel_loop3A_206 = arith.mulf %parallel_loop3A_192, %parallel_loop3A_205 : vector<16xf32>
        %parallel_loop3A_207 = arith.fptosi %parallel_loop3A_206 : vector<16xf32> to vector<16xi32>
        %parallel_loop3A_208 = arith.constant 31 : i32
        %parallel_loop3A_209 = vector.broadcast %parallel_loop3A_208 : i32 to vector<16xi32>
        %parallel_loop3A_210 = arith.minsi %parallel_loop3A_207, %parallel_loop3A_209 : vector<16xi32>
        %parallel_loop3A_211 = arith.sitofp %parallel_loop3A_210 : vector<16xi32> to vector<16xf32>
        %parallel_loop3A_212 = arith.subf %parallel_loop3A_206, %parallel_loop3A_211 : vector<16xf32>
        %parallel_loop3A_213 = vector.broadcast %scan3A : f32 to vector<16xf32>
        %parallel_loop3A_214 = arith.mulf %parallel_loop3A_196, %parallel_loop3A_213 : vector<16xf32>
        %parallel_loop3A_215 = arith.fptosi %parallel_loop3A_214 : vector<16xf32> to vector<16xi32>
        %parallel_loop3A_216 = arith.constant 31 : i32
        %parallel_loop3A_217 = vector.broadcast %parallel_loop3A_216 : i32 to vector<16xi32>
        %parallel_loop3A_218 = arith.minsi %parallel_loop3A_215, %parallel_loop3A_217 : vector<16xi32>
        %parallel_loop3A_219 = arith.sitofp %parallel_loop3A_218 : vector<16xi32> to vector<16xf32>
        %parallel_loop3A_220 = arith.subf %parallel_loop3A_214, %parallel_loop3A_219 : vector<16xf32>
        %parallel_loop3A_221 = arith.constant 33 : i32
        %parallel_loop3A_222 = vector.broadcast %parallel_loop3A_221 : i32 to vector<16xi32>
        %parallel_loop3A_223 = arith.muli %parallel_loop3A_218, %parallel_loop3A_222 : vector<16xi32>
        %parallel_loop3A_224 = arith.addi %parallel_loop3A_223, %parallel_loop3A_210 : vector<16xi32>
        %parallel_loop3A_225 = arith.constant 33 : i32
        %parallel_loop3A_226 = vector.broadcast %parallel_loop3A_225 : i32 to vector<16xi32>
        %parallel_loop3A_227 = arith.muli %parallel_loop3A_224, %parallel_loop3A_226 : vector<16xi32>
        %parallel_loop3A_228 = arith.addi %parallel_loop3A_227, %parallel_loop3A_202 : vector<16xi32>
        %parallel_loop3A_229 = arith.constant 1 : i32
        %parallel_loop3A_230 = vector.broadcast %parallel_loop3A_229 : i32 to vector<16xi32>
        %parallel_loop3A_231 = arith.addi %parallel_loop3A_228, %parallel_loop3A_230 : vector<16xi32>
        %parallel_loop3A_232 = arith.constant 33 : i32
        %parallel_loop3A_233 = vector.broadcast %parallel_loop3A_232 : i32 to vector<16xi32>
        %parallel_loop3A_234 = arith.addi %parallel_loop3A_228, %parallel_loop3A_233 : vector<16xi32>
        %parallel_loop3A_235 = arith.constant 34 : i32
        %parallel_loop3A_236 = vector.broadcast %parallel_loop3A_235 : i32 to vector<16xi32>
        %parallel_loop3A_237 = arith.addi %parallel_loop3A_228, %parallel_loop3A_236 : vector<16xi32>
        %parallel_loop3A_238 = arith.constant 1089 : i32
        %parallel_loop3A_239 = vector.broadcast %parallel_loop3A_238 : i32 to vector<16xi32>
        %parallel_loop3A_240 = arith.addi %parallel_loop3A_228, %parallel_loop3A_239 : vector<16xi32>
        %parallel_loop3A_241 = arith.constant 1090 : i32
        %parallel_loop3A_242 = vector.broadcast %parallel_loop3A_241 : i32 to vector<16xi32>
        %parallel_loop3A_243 = arith.addi %parallel_loop3A_228, %parallel_loop3A_242 : vector<16xi32>
        %parallel_loop3A_244 = arith.constant 1122 : i32
        %parallel_loop3A_245 = vector.broadcast %parallel_loop3A_244 : i32 to vector<16xi32>
        %parallel_loop3A_246 = arith.addi %parallel_loop3A_228, %parallel_loop3A_245 : vector<16xi32>
        %parallel_loop3A_247 = arith.constant 1123 : i32
        %parallel_loop3A_248 = vector.broadcast %parallel_loop3A_247 : i32 to vector<16xi32>
        %parallel_loop3A_249 = arith.addi %parallel_loop3A_228, %parallel_loop3A_248 : vector<16xi32>
        %parallel_loop3A_250 = arith.constant 1.000000e+00 : f32
        %parallel_loop3A_251 = vector.broadcast %parallel_loop3A_250 : f32 to vector<16xf32>
        %parallel_loop3A_252 = arith.subf %parallel_loop3A_251, %parallel_loop3A_204 : vector<16xf32>
        %parallel_loop3A_253 = arith.constant 1.000000e+00 : f32
        %parallel_loop3A_254 = vector.broadcast %parallel_loop3A_253 : f32 to vector<16xf32>
        %parallel_loop3A_255 = arith.subf %parallel_loop3A_254, %parallel_loop3A_212 : vector<16xf32>
        %parallel_loop3A_256 = arith.constant 1.000000e+00 : f32
        %parallel_loop3A_257 = vector.broadcast %parallel_loop3A_256 : f32 to vector<16xf32>
        %parallel_loop3A_258 = arith.subf %parallel_loop3A_257, %parallel_loop3A_220 : vector<16xf32>
        %parallel_loop3A_259 = arith.mulf %parallel_loop3A_255, %parallel_loop3A_258 : vector<16xf32>
        %parallel_loop3A_260 = arith.mulf %parallel_loop3A_212, %parallel_loop3A_258 : vector<16xf32>
        %parallel_loop3A_261 = arith.mulf %parallel_loop3A_255, %parallel_loop3A_220 : vector<16xf32>
        %parallel_loop3A_262 = arith.mulf %parallel_loop3A_212, %parallel_loop3A_220 : vector<16xf32>
        %parallel_loop3A_263 = arith.mulf %parallel_loop3A_252, %parallel_loop3A_259 : vector<16xf32>
        %parallel_loop3A_264 = arith.mulf %parallel_loop3A_204, %parallel_loop3A_259 : vector<16xf32>
        %parallel_loop3A_265 = arith.mulf %parallel_loop3A_252, %parallel_loop3A_260 : vector<16xf32>
        %parallel_loop3A_266 = arith.mulf %parallel_loop3A_204, %parallel_loop3A_260 : vector<16xf32>
        %parallel_loop3A_267 = arith.mulf %parallel_loop3A_252, %parallel_loop3A_261 : vector<16xf32>
        %parallel_loop3A_268 = arith.mulf %parallel_loop3A_204, %parallel_loop3A_261 : vector<16xf32>
        %parallel_loop3A_269 = arith.mulf %parallel_loop3A_252, %parallel_loop3A_262 : vector<16xf32>
        %parallel_loop3A_270 = arith.mulf %parallel_loop3A_204, %parallel_loop3A_262 : vector<16xf32>
        %parallel_loop3A_271 = arith.constant 0 : i32
        %parallel_loop3A_272 = vector.broadcast %parallel_loop3A_271 : i32 to vector<16xi32>
        %parallel_loop3A_273 = arith.addi %parallel_loop3A_228, %parallel_loop3A_272 : vector<16xi32>
        %parallel_loop3A_274 = tpu.vector_load_idx %arg5[%parallel_loop3A_273] : memref<107811xf32, #tpu.memory_space<vmem>>[vector<16xi32>], vector<16xf32>,
        %parallel_loop3A_275 = arith.constant 0 : i32
        %parallel_loop3A_276 = vector.broadcast %parallel_loop3A_275 : i32 to vector<16xi32>
        %parallel_loop3A_277 = arith.addi %parallel_loop3A_231, %parallel_loop3A_276 : vector<16xi32>
        %parallel_loop3A_278 = tpu.vector_load_idx %arg5[%parallel_loop3A_277] : memref<107811xf32, #tpu.memory_space<vmem>>[vector<16xi32>], vector<16xf32>,
        %parallel_loop3A_279 = arith.constant 0 : i32
        %parallel_loop3A_280 = vector.broadcast %parallel_loop3A_279 : i32 to vector<16xi32>
        %parallel_loop3A_281 = arith.addi %parallel_loop3A_234, %parallel_loop3A_280 : vector<16xi32>
        %parallel_loop3A_282 = tpu.vector_load_idx %arg5[%parallel_loop3A_281] : memref<107811xf32, #tpu.memory_space<vmem>>[vector<16xi32>], vector<16xf32>,
        %parallel_loop3A_283 = arith.constant 0 : i32
        %parallel_loop3A_284 = vector.broadcast %parallel_loop3A_283 : i32 to vector<16xi32>
        %parallel_loop3A_285 = arith.addi %parallel_loop3A_237, %parallel_loop3A_284 : vector<16xi32>
        %parallel_loop3A_286 = tpu.vector_load_idx %arg5[%parallel_loop3A_285] : memref<107811xf32, #tpu.memory_space<vmem>>[vector<16xi32>], vector<16xf32>,
        %parallel_loop3A_287 = arith.constant 0 : i32
        %parallel_loop3A_288 = vector.broadcast %parallel_loop3A_287 : i32 to vector<16xi32>
        %parallel_loop3A_289 = arith.addi %parallel_loop3A_240, %parallel_loop3A_288 : vector<16xi32>
        %parallel_loop3A_290 = tpu.vector_load_idx %arg5[%parallel_loop3A_289] : memref<107811xf32, #tpu.memory_space<vmem>>[vector<16xi32>], vector<16xf32>,
        %parallel_loop3A_291 = arith.constant 0 : i32
        %parallel_loop3A_292 = vector.broadcast %parallel_loop3A_291 : i32 to vector<16xi32>
        %parallel_loop3A_293 = arith.addi %parallel_loop3A_243, %parallel_loop3A_292 : vector<16xi32>
        %parallel_loop3A_294 = tpu.vector_load_idx %arg5[%parallel_loop3A_293] : memref<107811xf32, #tpu.memory_space<vmem>>[vector<16xi32>], vector<16xf32>,
        %parallel_loop3A_295 = arith.constant 0 : i32
        %parallel_loop3A_296 = vector.broadcast %parallel_loop3A_295 : i32 to vector<16xi32>
        %parallel_loop3A_297 = arith.addi %parallel_loop3A_246, %parallel_loop3A_296 : vector<16xi32>
        %parallel_loop3A_298 = tpu.vector_load_idx %arg5[%parallel_loop3A_297] : memref<107811xf32, #tpu.memory_space<vmem>>[vector<16xi32>], vector<16xf32>,
        %parallel_loop3A_299 = arith.constant 0 : i32
        %parallel_loop3A_300 = vector.broadcast %parallel_loop3A_299 : i32 to vector<16xi32>
        %parallel_loop3A_301 = arith.addi %parallel_loop3A_249, %parallel_loop3A_300 : vector<16xi32>
        %parallel_loop3A_302 = tpu.vector_load_idx %arg5[%parallel_loop3A_301] : memref<107811xf32, #tpu.memory_space<vmem>>[vector<16xi32>], vector<16xf32>,
        %parallel_loop3A_303 = arith.mulf %parallel_loop3A_274, %parallel_loop3A_263 : vector<16xf32>
        %parallel_loop3A_304 = arith.mulf %parallel_loop3A_278, %parallel_loop3A_264 : vector<16xf32>
        %parallel_loop3A_305 = arith.addf %parallel_loop3A_303, %parallel_loop3A_304 : vector<16xf32>
        %parallel_loop3A_306 = arith.mulf %parallel_loop3A_282, %parallel_loop3A_265 : vector<16xf32>
        %parallel_loop3A_307 = arith.mulf %parallel_loop3A_286, %parallel_loop3A_266 : vector<16xf32>
        %parallel_loop3A_308 = arith.addf %parallel_loop3A_306, %parallel_loop3A_307 : vector<16xf32>
        %parallel_loop3A_309 = arith.mulf %parallel_loop3A_290, %parallel_loop3A_267 : vector<16xf32>
        %parallel_loop3A_310 = arith.mulf %parallel_loop3A_294, %parallel_loop3A_268 : vector<16xf32>
        %parallel_loop3A_311 = arith.addf %parallel_loop3A_309, %parallel_loop3A_310 : vector<16xf32>
        %parallel_loop3A_312 = arith.mulf %parallel_loop3A_298, %parallel_loop3A_269 : vector<16xf32>
        %parallel_loop3A_313 = arith.mulf %parallel_loop3A_302, %parallel_loop3A_270 : vector<16xf32>
        %parallel_loop3A_314 = arith.addf %parallel_loop3A_312, %parallel_loop3A_313 : vector<16xf32>
        %parallel_loop3A_315 = arith.addf %parallel_loop3A_305, %parallel_loop3A_308 : vector<16xf32>
        %parallel_loop3A_316 = arith.addf %parallel_loop3A_311, %parallel_loop3A_314 : vector<16xf32>
        %parallel_loop3A_317 = arith.addf %parallel_loop3A_315, %parallel_loop3A_316 : vector<16xf32>
        %parallel_loop3A_318 = arith.constant 0 : i32
        %parallel_loop3A_319 = arith.addi %parallel_loop3A_318, %parallel_loop3A_184 : i32
        %parallel_loop3A_320 = arith.index_cast %parallel_loop3A_319 : i32 to index
        %parallel_loop3A_321 = tpu.vector_load %arg7[%parallel_loop3A_320] {strides = array<i32>} : memref<7776xf32, #tpu.memory_space<vmem>>, vector<16xf32>,
        tpu.vector_store %arg7[%parallel_loop3A_320], %parallel_loop3A_317 {strides = array<i32>} : memref<7776xf32, #tpu.memory_space<vmem>>, vector<16xf32>,
        %parallel_loop3A_322 = arith.constant 35937 : i32
        %parallel_loop3A_323 = vector.broadcast %parallel_loop3A_322 : i32 to vector<16xi32>
        %parallel_loop3A_324 = arith.addi %parallel_loop3A_228, %parallel_loop3A_323 : vector<16xi32>
        %parallel_loop3A_325 = tpu.vector_load_idx %arg5[%parallel_loop3A_324] : memref<107811xf32, #tpu.memory_space<vmem>>[vector<16xi32>], vector<16xf32>,
        %parallel_loop3A_326 = arith.constant 35937 : i32
        %parallel_loop3A_327 = vector.broadcast %parallel_loop3A_326 : i32 to vector<16xi32>
        %parallel_loop3A_328 = arith.addi %parallel_loop3A_231, %parallel_loop3A_327 : vector<16xi32>
        %parallel_loop3A_329 = tpu.vector_load_idx %arg5[%parallel_loop3A_328] : memref<107811xf32, #tpu.memory_space<vmem>>[vector<16xi32>], vector<16xf32>,
        %parallel_loop3A_330 = arith.constant 35937 : i32
        %parallel_loop3A_331 = vector.broadcast %parallel_loop3A_330 : i32 to vector<16xi32>
        %parallel_loop3A_332 = arith.addi %parallel_loop3A_234, %parallel_loop3A_331 : vector<16xi32>
        %parallel_loop3A_333 = tpu.vector_load_idx %arg5[%parallel_loop3A_332] : memref<107811xf32, #tpu.memory_space<vmem>>[vector<16xi32>], vector<16xf32>,
        %parallel_loop3A_334 = arith.constant 35937 : i32
        %parallel_loop3A_335 = vector.broadcast %parallel_loop3A_334 : i32 to vector<16xi32>
        %parallel_loop3A_336 = arith.addi %parallel_loop3A_237, %parallel_loop3A_335 : vector<16xi32>
        %parallel_loop3A_337 = tpu.vector_load_idx %arg5[%parallel_loop3A_336] : memref<107811xf32, #tpu.memory_space<vmem>>[vector<16xi32>], vector<16xf32>,
        %parallel_loop3A_338 = arith.constant 35937 : i32
        %parallel_loop3A_339 = vector.broadcast %parallel_loop3A_338 : i32 to vector<16xi32>
        %parallel_loop3A_340 = arith.addi %parallel_loop3A_240, %parallel_loop3A_339 : vector<16xi32>
        %parallel_loop3A_341 = tpu.vector_load_idx %arg5[%parallel_loop3A_340] : memref<107811xf32, #tpu.memory_space<vmem>>[vector<16xi32>], vector<16xf32>,
        %parallel_loop3A_342 = arith.constant 35937 : i32
        %parallel_loop3A_343 = vector.broadcast %parallel_loop3A_342 : i32 to vector<16xi32>
        %parallel_loop3A_344 = arith.addi %parallel_loop3A_243, %parallel_loop3A_343 : vector<16xi32>
        %parallel_loop3A_345 = tpu.vector_load_idx %arg5[%parallel_loop3A_344] : memref<107811xf32, #tpu.memory_space<vmem>>[vector<16xi32>], vector<16xf32>,
        %parallel_loop3A_346 = arith.constant 35937 : i32
        %parallel_loop3A_347 = vector.broadcast %parallel_loop3A_346 : i32 to vector<16xi32>
        %parallel_loop3A_348 = arith.addi %parallel_loop3A_246, %parallel_loop3A_347 : vector<16xi32>
        %parallel_loop3A_349 = tpu.vector_load_idx %arg5[%parallel_loop3A_348] : memref<107811xf32, #tpu.memory_space<vmem>>[vector<16xi32>], vector<16xf32>,
        %parallel_loop3A_350 = arith.constant 35937 : i32
        %parallel_loop3A_351 = vector.broadcast %parallel_loop3A_350 : i32 to vector<16xi32>
        %parallel_loop3A_352 = arith.addi %parallel_loop3A_249, %parallel_loop3A_351 : vector<16xi32>
        %parallel_loop3A_353 = tpu.vector_load_idx %arg5[%parallel_loop3A_352] : memref<107811xf32, #tpu.memory_space<vmem>>[vector<16xi32>], vector<16xf32>,
        %parallel_loop3A_354 = arith.mulf %parallel_loop3A_325, %parallel_loop3A_263 : vector<16xf32>
        %parallel_loop3A_355 = arith.mulf %parallel_loop3A_329, %parallel_loop3A_264 : vector<16xf32>
        %parallel_loop3A_356 = arith.addf %parallel_loop3A_354, %parallel_loop3A_355 : vector<16xf32>
        %parallel_loop3A_357 = arith.mulf %parallel_loop3A_333, %parallel_loop3A_265 : vector<16xf32>
        %parallel_loop3A_358 = arith.mulf %parallel_loop3A_337, %parallel_loop3A_266 : vector<16xf32>
        %parallel_loop3A_359 = arith.addf %parallel_loop3A_357, %parallel_loop3A_358 : vector<16xf32>
        %parallel_loop3A_360 = arith.mulf %parallel_loop3A_341, %parallel_loop3A_267 : vector<16xf32>
        %parallel_loop3A_361 = arith.mulf %parallel_loop3A_345, %parallel_loop3A_268 : vector<16xf32>
        %parallel_loop3A_362 = arith.addf %parallel_loop3A_360, %parallel_loop3A_361 : vector<16xf32>
        %parallel_loop3A_363 = arith.mulf %parallel_loop3A_349, %parallel_loop3A_269 : vector<16xf32>
        %parallel_loop3A_364 = arith.mulf %parallel_loop3A_353, %parallel_loop3A_270 : vector<16xf32>
        %parallel_loop3A_365 = arith.addf %parallel_loop3A_363, %parallel_loop3A_364 : vector<16xf32>
        %parallel_loop3A_366 = arith.addf %parallel_loop3A_356, %parallel_loop3A_359 : vector<16xf32>
        %parallel_loop3A_367 = arith.addf %parallel_loop3A_362, %parallel_loop3A_365 : vector<16xf32>
        %parallel_loop3A_368 = arith.addf %parallel_loop3A_366, %parallel_loop3A_367 : vector<16xf32>
        %parallel_loop3A_369 = arith.constant 1296 : i32
        %parallel_loop3A_370 = arith.addi %parallel_loop3A_369, %parallel_loop3A_184 : i32
        %parallel_loop3A_371 = arith.index_cast %parallel_loop3A_370 : i32 to index
        %parallel_loop3A_372 = tpu.vector_load %arg7[%parallel_loop3A_371] {strides = array<i32>} : memref<7776xf32, #tpu.memory_space<vmem>>, vector<16xf32>,
        tpu.vector_store %arg7[%parallel_loop3A_371], %parallel_loop3A_368 {strides = array<i32>} : memref<7776xf32, #tpu.memory_space<vmem>>, vector<16xf32>,
        %parallel_loop3A_373 = arith.constant 71874 : i32
        %parallel_loop3A_374 = vector.broadcast %parallel_loop3A_373 : i32 to vector<16xi32>
        %parallel_loop3A_375 = arith.addi %parallel_loop3A_228, %parallel_loop3A_374 : vector<16xi32>
        %parallel_loop3A_376 = tpu.vector_load_idx %arg5[%parallel_loop3A_375] : memref<107811xf32, #tpu.memory_space<vmem>>[vector<16xi32>], vector<16xf32>,
        %parallel_loop3A_377 = arith.constant 71874 : i32
        %parallel_loop3A_378 = vector.broadcast %parallel_loop3A_377 : i32 to vector<16xi32>
        %parallel_loop3A_379 = arith.addi %parallel_loop3A_231, %parallel_loop3A_378 : vector<16xi32>
        %parallel_loop3A_380 = tpu.vector_load_idx %arg5[%parallel_loop3A_379] : memref<107811xf32, #tpu.memory_space<vmem>>[vector<16xi32>], vector<16xf32>,
        %parallel_loop3A_381 = arith.constant 71874 : i32
        %parallel_loop3A_382 = vector.broadcast %parallel_loop3A_381 : i32 to vector<16xi32>
        %parallel_loop3A_383 = arith.addi %parallel_loop3A_234, %parallel_loop3A_382 : vector<16xi32>
        %parallel_loop3A_384 = tpu.vector_load_idx %arg5[%parallel_loop3A_383] : memref<107811xf32, #tpu.memory_space<vmem>>[vector<16xi32>], vector<16xf32>,
        %parallel_loop3A_385 = arith.constant 71874 : i32
        %parallel_loop3A_386 = vector.broadcast %parallel_loop3A_385 : i32 to vector<16xi32>
        %parallel_loop3A_387 = arith.addi %parallel_loop3A_237, %parallel_loop3A_386 : vector<16xi32>
        %parallel_loop3A_388 = tpu.vector_load_idx %arg5[%parallel_loop3A_387] : memref<107811xf32, #tpu.memory_space<vmem>>[vector<16xi32>], vector<16xf32>,
        %parallel_loop3A_389 = arith.constant 71874 : i32
        %parallel_loop3A_390 = vector.broadcast %parallel_loop3A_389 : i32 to vector<16xi32>
        %parallel_loop3A_391 = arith.addi %parallel_loop3A_240, %parallel_loop3A_390 : vector<16xi32>
        %parallel_loop3A_392 = tpu.vector_load_idx %arg5[%parallel_loop3A_391] : memref<107811xf32, #tpu.memory_space<vmem>>[vector<16xi32>], vector<16xf32>,
        %parallel_loop3A_393 = arith.constant 71874 : i32
        %parallel_loop3A_394 = vector.broadcast %parallel_loop3A_393 : i32 to vector<16xi32>
        %parallel_loop3A_395 = arith.addi %parallel_loop3A_243, %parallel_loop3A_394 : vector<16xi32>
        %parallel_loop3A_396 = tpu.vector_load_idx %arg5[%parallel_loop3A_395] : memref<107811xf32, #tpu.memory_space<vmem>>[vector<16xi32>], vector<16xf32>,
        %parallel_loop3A_397 = arith.constant 71874 : i32
        %parallel_loop3A_398 = vector.broadcast %parallel_loop3A_397 : i32 to vector<16xi32>
        %parallel_loop3A_399 = arith.addi %parallel_loop3A_246, %parallel_loop3A_398 : vector<16xi32>
        %parallel_loop3A_400 = tpu.vector_load_idx %arg5[%parallel_loop3A_399] : memref<107811xf32, #tpu.memory_space<vmem>>[vector<16xi32>], vector<16xf32>,
        %parallel_loop3A_401 = arith.constant 71874 : i32
        %parallel_loop3A_402 = vector.broadcast %parallel_loop3A_401 : i32 to vector<16xi32>
        %parallel_loop3A_403 = arith.addi %parallel_loop3A_249, %parallel_loop3A_402 : vector<16xi32>
        %parallel_loop3A_404 = tpu.vector_load_idx %arg5[%parallel_loop3A_403] : memref<107811xf32, #tpu.memory_space<vmem>>[vector<16xi32>], vector<16xf32>,
        %parallel_loop3A_405 = arith.mulf %parallel_loop3A_376, %parallel_loop3A_263 : vector<16xf32>
        %parallel_loop3A_406 = arith.mulf %parallel_loop3A_380, %parallel_loop3A_264 : vector<16xf32>
        %parallel_loop3A_407 = arith.addf %parallel_loop3A_405, %parallel_loop3A_406 : vector<16xf32>
        %parallel_loop3A_408 = arith.mulf %parallel_loop3A_384, %parallel_loop3A_265 : vector<16xf32>
        %parallel_loop3A_409 = arith.mulf %parallel_loop3A_388, %parallel_loop3A_266 : vector<16xf32>
        %parallel_loop3A_410 = arith.addf %parallel_loop3A_408, %parallel_loop3A_409 : vector<16xf32>
        %parallel_loop3A_411 = arith.mulf %parallel_loop3A_392, %parallel_loop3A_267 : vector<16xf32>
        %parallel_loop3A_412 = arith.mulf %parallel_loop3A_396, %parallel_loop3A_268 : vector<16xf32>
        %parallel_loop3A_413 = arith.addf %parallel_loop3A_411, %parallel_loop3A_412 : vector<16xf32>
        %parallel_loop3A_414 = arith.mulf %parallel_loop3A_400, %parallel_loop3A_269 : vector<16xf32>
        %parallel_loop3A_415 = arith.mulf %parallel_loop3A_404, %parallel_loop3A_270 : vector<16xf32>
        %parallel_loop3A_416 = arith.addf %parallel_loop3A_414, %parallel_loop3A_415 : vector<16xf32>
        %parallel_loop3A_417 = arith.addf %parallel_loop3A_407, %parallel_loop3A_410 : vector<16xf32>
        %parallel_loop3A_418 = arith.addf %parallel_loop3A_413, %parallel_loop3A_416 : vector<16xf32>
        %parallel_loop3A_419 = arith.addf %parallel_loop3A_417, %parallel_loop3A_418 : vector<16xf32>
        %parallel_loop3A_420 = arith.constant 2592 : i32
        %parallel_loop3A_421 = arith.addi %parallel_loop3A_420, %parallel_loop3A_184 : i32
        %parallel_loop3A_422 = arith.index_cast %parallel_loop3A_421 : i32 to index
        %parallel_loop3A_423 = tpu.vector_load %arg7[%parallel_loop3A_422] {strides = array<i32>} : memref<7776xf32, #tpu.memory_space<vmem>>, vector<16xf32>,
        tpu.vector_store %arg7[%parallel_loop3A_422], %parallel_loop3A_419 {strides = array<i32>} : memref<7776xf32, #tpu.memory_space<vmem>>, vector<16xf32>,
      } {sc.loop_unroll_factor = 1 : i64, sc.parallel_access}
      %mul3A_94 = arith.constant 1296 : i32
      %mul3A_95 = arith.muli %add3A_81, %mul3A_94 : i32
      %add3A_96 = arith.addi %mul3A_2, %mul3A_95 : i32
      %add3A_97 = arith.constant 0 : i32
      %add3A_98 = arith.addi %add3A_97, %add3A_96 : i32
      %dma_start3A_99 = arith.constant 0 : i32
      %dma_start3A_100 = tpu.memref_slice %arg7[%dma_start3A_99] : memref<7776xf32, #tpu.memory_space<vmem>> -> memref<1296xf32, #tpu.memory_space<vmem>>
      %dma_start3A_101 = tpu.memref_slice %arg4[%add3A_98] : memref<6220800xf32, #tpu.memory_space<hbm>> -> memref<1296xf32, #tpu.memory_space<hbm>>
      %dma_start3A_102 = tpu.memref_slice %arg4[%add3A_98] : memref<6220800xf32, #tpu.memory_space<hbm>> -> memref<1296xf32, #tpu.memory_space<hbm>>
      %dma_start3A_103 = arith.constant 0 : i32
      %dma_start3A_104 = tpu.memref_slice %arg7[%dma_start3A_103] : memref<7776xf32, #tpu.memory_space<vmem>> -> memref<1296xf32, #tpu.memory_space<vmem>>
      tpu.enqueue_dma source(%dma_start3A_104 : memref<1296xf32, #tpu.memory_space<vmem>>) target(%dma_start3A_102 : memref<1296xf32, #tpu.memory_space<hbm>>) target_semaphore(%arg10 : memref<!tpu.dma_semaphore, #tpu.memory_space<semaphore_mem>>)
      %add3A_105 = arith.constant 2073600 : i32
      %add3A_106 = arith.addi %add3A_105, %add3A_96 : i32
      %dma_start3A_107 = arith.constant 1296 : i32
      %dma_start3A_108 = tpu.memref_slice %arg7[%dma_start3A_107] : memref<7776xf32, #tpu.memory_space<vmem>> -> memref<1296xf32, #tpu.memory_space<vmem>>
      %dma_start3A_109 = tpu.memref_slice %arg4[%add3A_106] : memref<6220800xf32, #tpu.memory_space<hbm>> -> memref<1296xf32, #tpu.memory_space<hbm>>
      %dma_start3A_110 = tpu.memref_slice %arg4[%add3A_106] : memref<6220800xf32, #tpu.memory_space<hbm>> -> memref<1296xf32, #tpu.memory_space<hbm>>
      %dma_start3A_111 = arith.constant 1296 : i32
      %dma_start3A_112 = tpu.memref_slice %arg7[%dma_start3A_111] : memref<7776xf32, #tpu.memory_space<vmem>> -> memref<1296xf32, #tpu.memory_space<vmem>>
      tpu.enqueue_dma source(%dma_start3A_112 : memref<1296xf32, #tpu.memory_space<vmem>>) target(%dma_start3A_110 : memref<1296xf32, #tpu.memory_space<hbm>>) target_semaphore(%arg10 : memref<!tpu.dma_semaphore, #tpu.memory_space<semaphore_mem>>)
      %add3A_113 = arith.constant 4147200 : i32
      %add3A_114 = arith.addi %add3A_113, %add3A_96 : i32
      %dma_start3A_115 = arith.constant 2592 : i32
      %dma_start3A_116 = tpu.memref_slice %arg7[%dma_start3A_115] : memref<7776xf32, #tpu.memory_space<vmem>> -> memref<1296xf32, #tpu.memory_space<vmem>>
      %dma_start3A_117 = tpu.memref_slice %arg4[%add3A_114] : memref<6220800xf32, #tpu.memory_space<hbm>> -> memref<1296xf32, #tpu.memory_space<hbm>>
      %dma_start3A_118 = tpu.memref_slice %arg4[%add3A_114] : memref<6220800xf32, #tpu.memory_space<hbm>> -> memref<1296xf32, #tpu.memory_space<hbm>>
      %dma_start3A_119 = arith.constant 2592 : i32
      %dma_start3A_120 = tpu.memref_slice %arg7[%dma_start3A_119] : memref<7776xf32, #tpu.memory_space<vmem>> -> memref<1296xf32, #tpu.memory_space<vmem>>
      tpu.enqueue_dma source(%dma_start3A_120 : memref<1296xf32, #tpu.memory_space<vmem>>) target(%dma_start3A_118 : memref<1296xf32, #tpu.memory_space<hbm>>) target_semaphore(%arg10 : memref<!tpu.dma_semaphore, #tpu.memory_space<semaphore_mem>>)
      %add3A_121 = arith.constant 2 : i32
      %add3A_122 = arith.addi %add3A_81, %add3A_121 : i32
      %lt3A = arith.constant 50 : i32
      %lt3A_123 = arith.cmpi slt, %add3A_122, %lt3A : i32
      %convert_element_type3A_124 = arith.extui %lt3A_123 : i1 to i32
      %cond3A_125 = arith.constant 0 : i32
      %cond3A_126 = arith.cmpi ne, %convert_element_type3A_124, %cond3A_125 : i32
      scf.if %cond3A_126 {
        %add3A_182 = arith.constant 2 : i32
        %add3A_183 = arith.addi %add3A_81, %add3A_182 : i32
        %mul3A_184 = arith.constant 1296 : i32
        %mul3A_185 = arith.muli %add3A_183, %mul3A_184 : i32
        %add3A_186 = arith.addi %mul3A_2, %mul3A_185 : i32
        %add3A_187 = arith.constant 0 : i32
        %add3A_188 = arith.addi %add3A_187, %add3A_186 : i32
        %dma_start3A_189 = arith.constant 0 : i32
        %dma_start3A_190 = tpu.memref_slice %arg6[%dma_start3A_189] : memref<7776xf32, #tpu.memory_space<vmem>> -> memref<1296xf32, #tpu.memory_space<vmem>>
        %dma_start3A_191 = tpu.memref_slice %arg2[%add3A_188] : memref<6220800xf32, #tpu.memory_space<hbm>> -> memref<1296xf32, #tpu.memory_space<hbm>>
        %dma_start3A_192 = arith.constant 0 : i32
        %dma_start3A_193 = tpu.memref_slice %arg6[%dma_start3A_192] : memref<7776xf32, #tpu.memory_space<vmem>> -> memref<1296xf32, #tpu.memory_space<vmem>>
        %dma_start3A_194 = tpu.memref_slice %arg2[%add3A_188] : memref<6220800xf32, #tpu.memory_space<hbm>> -> memref<1296xf32, #tpu.memory_space<hbm>>
        tpu.enqueue_dma source(%dma_start3A_194 : memref<1296xf32, #tpu.memory_space<hbm>>) target(%dma_start3A_193 : memref<1296xf32, #tpu.memory_space<vmem>>) target_semaphore(%arg8 : memref<!tpu.dma_semaphore, #tpu.memory_space<semaphore_mem>>)
        %add3A_195 = arith.constant 2073600 : i32
        %add3A_196 = arith.addi %add3A_195, %add3A_186 : i32
        %dma_start3A_197 = arith.constant 1296 : i32
        %dma_start3A_198 = tpu.memref_slice %arg6[%dma_start3A_197] : memref<7776xf32, #tpu.memory_space<vmem>> -> memref<1296xf32, #tpu.memory_space<vmem>>
        %dma_start3A_199 = tpu.memref_slice %arg2[%add3A_196] : memref<6220800xf32, #tpu.memory_space<hbm>> -> memref<1296xf32, #tpu.memory_space<hbm>>
        %dma_start3A_200 = arith.constant 1296 : i32
        %dma_start3A_201 = tpu.memref_slice %arg6[%dma_start3A_200] : memref<7776xf32, #tpu.memory_space<vmem>> -> memref<1296xf32, #tpu.memory_space<vmem>>
        %dma_start3A_202 = tpu.memref_slice %arg2[%add3A_196] : memref<6220800xf32, #tpu.memory_space<hbm>> -> memref<1296xf32, #tpu.memory_space<hbm>>
        tpu.enqueue_dma source(%dma_start3A_202 : memref<1296xf32, #tpu.memory_space<hbm>>) target(%dma_start3A_201 : memref<1296xf32, #tpu.memory_space<vmem>>) target_semaphore(%arg8 : memref<!tpu.dma_semaphore, #tpu.memory_space<semaphore_mem>>)
        %add3A_203 = arith.constant 4147200 : i32
        %add3A_204 = arith.addi %add3A_203, %add3A_186 : i32
        %dma_start3A_205 = arith.constant 2592 : i32
        %dma_start3A_206 = tpu.memref_slice %arg6[%dma_start3A_205] : memref<7776xf32, #tpu.memory_space<vmem>> -> memref<1296xf32, #tpu.memory_space<vmem>>
        %dma_start3A_207 = tpu.memref_slice %arg2[%add3A_204] : memref<6220800xf32, #tpu.memory_space<hbm>> -> memref<1296xf32, #tpu.memory_space<hbm>>
        %dma_start3A_208 = arith.constant 2592 : i32
        %dma_start3A_209 = tpu.memref_slice %arg6[%dma_start3A_208] : memref<7776xf32, #tpu.memory_space<vmem>> -> memref<1296xf32, #tpu.memory_space<vmem>>
        %dma_start3A_210 = tpu.memref_slice %arg2[%add3A_204] : memref<6220800xf32, #tpu.memory_space<hbm>> -> memref<1296xf32, #tpu.memory_space<hbm>>
        tpu.enqueue_dma source(%dma_start3A_210 : memref<1296xf32, #tpu.memory_space<hbm>>) target(%dma_start3A_209 : memref<1296xf32, #tpu.memory_space<vmem>>) target_semaphore(%arg8 : memref<!tpu.dma_semaphore, #tpu.memory_space<semaphore_mem>>)
      } else {
      }
      %mul3A_127 = arith.constant 2 : i32
      %mul3A_128 = arith.muli %mul3A_127, %scan3A_76 : i32
      %add3A_129 = arith.constant 1 : i32
      %add3A_130 = arith.addi %mul3A_128, %add3A_129 : i32
      %dma_wait3A_131 = arith.constant 3888 : i32
      %dma_wait3A_132 = tpu.memref_slice %arg6[%dma_wait3A_131] : memref<7776xf32, #tpu.memory_space<vmem>> -> memref<3888xf32, #tpu.memory_space<vmem>>
      %dma_wait3A_133 = arith.constant 0 : i32
      %dma_wait3A_134 = tpu.memref_slice %arg2[%dma_wait3A_133] : memref<6220800xf32, #tpu.memory_space<hbm>> -> memref<3888xf32, #tpu.memory_space<hbm>>
      %dma_wait3A_135 = arith.constant 3888 : i32
      %dma_wait3A_136 = tpu.memref_slice %arg6[%dma_wait3A_135] : memref<7776xf32, #tpu.memory_space<vmem>> -> memref<3888xf32, #tpu.memory_space<vmem>>
      %dma_wait3A_137 = arith.constant 0 : i32
      %dma_wait3A_138 = tpu.memref_slice %arg2[%dma_wait3A_137] : memref<6220800xf32, #tpu.memory_space<hbm>> -> memref<3888xf32, #tpu.memory_space<hbm>>
      tpu.wait_dma2 semaphore(%arg9 : memref<!tpu.dma_semaphore, #tpu.memory_space<semaphore_mem>>) src(%dma_wait3A_138 : memref<3888xf32, #tpu.memory_space<hbm>>) dst(%dma_wait3A_136 : memref<3888xf32, #tpu.memory_space<vmem>>)
      %ge3A_139 = arith.constant 2 : i32
      %ge3A_140 = arith.cmpi sge, %add3A_130, %ge3A_139 : i32
      %convert_element_type3A_141 = arith.extui %ge3A_140 : i1 to i32
      %cond3A_142 = arith.constant 0 : i32
      %cond3A_143 = arith.cmpi ne, %convert_element_type3A_141, %cond3A_142 : i32
      scf.if %cond3A_143 {
        %dma_wait3A_182 = arith.constant 3888 : i32
        %dma_wait3A_183 = tpu.memref_slice %arg7[%dma_wait3A_182] : memref<7776xf32, #tpu.memory_space<vmem>> -> memref<3888xf32, #tpu.memory_space<vmem>>
        %dma_wait3A_184 = arith.constant 0 : i32
        %dma_wait3A_185 = tpu.memref_slice %arg4[%dma_wait3A_184] : memref<6220800xf32, #tpu.memory_space<hbm>> -> memref<3888xf32, #tpu.memory_space<hbm>>
        %dma_wait3A_186 = arith.constant 0 : i32
        %dma_wait3A_187 = tpu.memref_slice %arg4[%dma_wait3A_186] : memref<6220800xf32, #tpu.memory_space<hbm>> -> memref<3888xf32, #tpu.memory_space<hbm>>
        %dma_wait3A_188 = arith.constant 3888 : i32
        %dma_wait3A_189 = tpu.memref_slice %arg7[%dma_wait3A_188] : memref<7776xf32, #tpu.memory_space<vmem>> -> memref<3888xf32, #tpu.memory_space<vmem>>
        tpu.wait_dma2 semaphore(%arg11 : memref<!tpu.dma_semaphore, #tpu.memory_space<semaphore_mem>>) src(%dma_wait3A_189 : memref<3888xf32, #tpu.memory_space<vmem>>) dst(%dma_wait3A_187 : memref<3888xf32, #tpu.memory_space<hbm>>)
      } else {
      }
      %parallel_loop3A_144 = arith.constant 0 : i32
      %parallel_loop3A_145 = arith.constant 81 : i32
      %parallel_loop3A_146 = arith.constant 1 : i32
      scf.for %parallel_loop3A_182 = %parallel_loop3A_144 to %parallel_loop3A_145 step %parallel_loop3A_146  : i32 {
        %parallel_loop3A_183 = arith.constant 16 : i32
        %parallel_loop3A_184 = arith.muli %parallel_loop3A_182, %parallel_loop3A_183 : i32
        %parallel_loop3A_185 = arith.constant 3888 : i32
        %parallel_loop3A_186 = arith.addi %parallel_loop3A_185, %parallel_loop3A_184 : i32
        %parallel_loop3A_187 = arith.index_cast %parallel_loop3A_186 : i32 to index
        %parallel_loop3A_188 = tpu.vector_load %arg6[%parallel_loop3A_187] {strides = array<i32>} : memref<7776xf32, #tpu.memory_space<vmem>>, vector<16xf32>,
        %parallel_loop3A_189 = arith.constant 5184 : i32
        %parallel_loop3A_190 = arith.addi %parallel_loop3A_189, %parallel_loop3A_184 : i32
        %parallel_loop3A_191 = arith.index_cast %parallel_loop3A_190 : i32 to index
        %parallel_loop3A_192 = tpu.vector_load %arg6[%parallel_loop3A_191] {strides = array<i32>} : memref<7776xf32, #tpu.memory_space<vmem>>, vector<16xf32>,
        %parallel_loop3A_193 = arith.constant 6480 : i32
        %parallel_loop3A_194 = arith.addi %parallel_loop3A_193, %parallel_loop3A_184 : i32
        %parallel_loop3A_195 = arith.index_cast %parallel_loop3A_194 : i32 to index
        %parallel_loop3A_196 = tpu.vector_load %arg6[%parallel_loop3A_195] {strides = array<i32>} : memref<7776xf32, #tpu.memory_space<vmem>>, vector<16xf32>,
        %parallel_loop3A_197 = vector.broadcast %scan3A : f32 to vector<16xf32>
        %parallel_loop3A_198 = arith.mulf %parallel_loop3A_188, %parallel_loop3A_197 : vector<16xf32>
        %parallel_loop3A_199 = arith.fptosi %parallel_loop3A_198 : vector<16xf32> to vector<16xi32>
        %parallel_loop3A_200 = arith.constant 31 : i32
        %parallel_loop3A_201 = vector.broadcast %parallel_loop3A_200 : i32 to vector<16xi32>
        %parallel_loop3A_202 = arith.minsi %parallel_loop3A_199, %parallel_loop3A_201 : vector<16xi32>
        %parallel_loop3A_203 = arith.sitofp %parallel_loop3A_202 : vector<16xi32> to vector<16xf32>
        %parallel_loop3A_204 = arith.subf %parallel_loop3A_198, %parallel_loop3A_203 : vector<16xf32>
        %parallel_loop3A_205 = vector.broadcast %scan3A : f32 to vector<16xf32>
        %parallel_loop3A_206 = arith.mulf %parallel_loop3A_192, %parallel_loop3A_205 : vector<16xf32>
        %parallel_loop3A_207 = arith.fptosi %parallel_loop3A_206 : vector<16xf32> to vector<16xi32>
        %parallel_loop3A_208 = arith.constant 31 : i32
        %parallel_loop3A_209 = vector.broadcast %parallel_loop3A_208 : i32 to vector<16xi32>
        %parallel_loop3A_210 = arith.minsi %parallel_loop3A_207, %parallel_loop3A_209 : vector<16xi32>
        %parallel_loop3A_211 = arith.sitofp %parallel_loop3A_210 : vector<16xi32> to vector<16xf32>
        %parallel_loop3A_212 = arith.subf %parallel_loop3A_206, %parallel_loop3A_211 : vector<16xf32>
        %parallel_loop3A_213 = vector.broadcast %scan3A : f32 to vector<16xf32>
        %parallel_loop3A_214 = arith.mulf %parallel_loop3A_196, %parallel_loop3A_213 : vector<16xf32>
        %parallel_loop3A_215 = arith.fptosi %parallel_loop3A_214 : vector<16xf32> to vector<16xi32>
        %parallel_loop3A_216 = arith.constant 31 : i32
        %parallel_loop3A_217 = vector.broadcast %parallel_loop3A_216 : i32 to vector<16xi32>
        %parallel_loop3A_218 = arith.minsi %parallel_loop3A_215, %parallel_loop3A_217 : vector<16xi32>
        %parallel_loop3A_219 = arith.sitofp %parallel_loop3A_218 : vector<16xi32> to vector<16xf32>
        %parallel_loop3A_220 = arith.subf %parallel_loop3A_214, %parallel_loop3A_219 : vector<16xf32>
        %parallel_loop3A_221 = arith.constant 33 : i32
        %parallel_loop3A_222 = vector.broadcast %parallel_loop3A_221 : i32 to vector<16xi32>
        %parallel_loop3A_223 = arith.muli %parallel_loop3A_218, %parallel_loop3A_222 : vector<16xi32>
        %parallel_loop3A_224 = arith.addi %parallel_loop3A_223, %parallel_loop3A_210 : vector<16xi32>
        %parallel_loop3A_225 = arith.constant 33 : i32
        %parallel_loop3A_226 = vector.broadcast %parallel_loop3A_225 : i32 to vector<16xi32>
        %parallel_loop3A_227 = arith.muli %parallel_loop3A_224, %parallel_loop3A_226 : vector<16xi32>
        %parallel_loop3A_228 = arith.addi %parallel_loop3A_227, %parallel_loop3A_202 : vector<16xi32>
        %parallel_loop3A_229 = arith.constant 1 : i32
        %parallel_loop3A_230 = vector.broadcast %parallel_loop3A_229 : i32 to vector<16xi32>
        %parallel_loop3A_231 = arith.addi %parallel_loop3A_228, %parallel_loop3A_230 : vector<16xi32>
        %parallel_loop3A_232 = arith.constant 33 : i32
        %parallel_loop3A_233 = vector.broadcast %parallel_loop3A_232 : i32 to vector<16xi32>
        %parallel_loop3A_234 = arith.addi %parallel_loop3A_228, %parallel_loop3A_233 : vector<16xi32>
        %parallel_loop3A_235 = arith.constant 34 : i32
        %parallel_loop3A_236 = vector.broadcast %parallel_loop3A_235 : i32 to vector<16xi32>
        %parallel_loop3A_237 = arith.addi %parallel_loop3A_228, %parallel_loop3A_236 : vector<16xi32>
        %parallel_loop3A_238 = arith.constant 1089 : i32
        %parallel_loop3A_239 = vector.broadcast %parallel_loop3A_238 : i32 to vector<16xi32>
        %parallel_loop3A_240 = arith.addi %parallel_loop3A_228, %parallel_loop3A_239 : vector<16xi32>
        %parallel_loop3A_241 = arith.constant 1090 : i32
        %parallel_loop3A_242 = vector.broadcast %parallel_loop3A_241 : i32 to vector<16xi32>
        %parallel_loop3A_243 = arith.addi %parallel_loop3A_228, %parallel_loop3A_242 : vector<16xi32>
        %parallel_loop3A_244 = arith.constant 1122 : i32
        %parallel_loop3A_245 = vector.broadcast %parallel_loop3A_244 : i32 to vector<16xi32>
        %parallel_loop3A_246 = arith.addi %parallel_loop3A_228, %parallel_loop3A_245 : vector<16xi32>
        %parallel_loop3A_247 = arith.constant 1123 : i32
        %parallel_loop3A_248 = vector.broadcast %parallel_loop3A_247 : i32 to vector<16xi32>
        %parallel_loop3A_249 = arith.addi %parallel_loop3A_228, %parallel_loop3A_248 : vector<16xi32>
        %parallel_loop3A_250 = arith.constant 1.000000e+00 : f32
        %parallel_loop3A_251 = vector.broadcast %parallel_loop3A_250 : f32 to vector<16xf32>
        %parallel_loop3A_252 = arith.subf %parallel_loop3A_251, %parallel_loop3A_204 : vector<16xf32>
        %parallel_loop3A_253 = arith.constant 1.000000e+00 : f32
        %parallel_loop3A_254 = vector.broadcast %parallel_loop3A_253 : f32 to vector<16xf32>
        %parallel_loop3A_255 = arith.subf %parallel_loop3A_254, %parallel_loop3A_212 : vector<16xf32>
        %parallel_loop3A_256 = arith.constant 1.000000e+00 : f32
        %parallel_loop3A_257 = vector.broadcast %parallel_loop3A_256 : f32 to vector<16xf32>
        %parallel_loop3A_258 = arith.subf %parallel_loop3A_257, %parallel_loop3A_220 : vector<16xf32>
        %parallel_loop3A_259 = arith.mulf %parallel_loop3A_255, %parallel_loop3A_258 : vector<16xf32>
        %parallel_loop3A_260 = arith.mulf %parallel_loop3A_212, %parallel_loop3A_258 : vector<16xf32>
        %parallel_loop3A_261 = arith.mulf %parallel_loop3A_255, %parallel_loop3A_220 : vector<16xf32>
        %parallel_loop3A_262 = arith.mulf %parallel_loop3A_212, %parallel_loop3A_220 : vector<16xf32>
        %parallel_loop3A_263 = arith.mulf %parallel_loop3A_252, %parallel_loop3A_259 : vector<16xf32>
        %parallel_loop3A_264 = arith.mulf %parallel_loop3A_204, %parallel_loop3A_259 : vector<16xf32>
        %parallel_loop3A_265 = arith.mulf %parallel_loop3A_252, %parallel_loop3A_260 : vector<16xf32>
        %parallel_loop3A_266 = arith.mulf %parallel_loop3A_204, %parallel_loop3A_260 : vector<16xf32>
        %parallel_loop3A_267 = arith.mulf %parallel_loop3A_252, %parallel_loop3A_261 : vector<16xf32>
        %parallel_loop3A_268 = arith.mulf %parallel_loop3A_204, %parallel_loop3A_261 : vector<16xf32>
        %parallel_loop3A_269 = arith.mulf %parallel_loop3A_252, %parallel_loop3A_262 : vector<16xf32>
        %parallel_loop3A_270 = arith.mulf %parallel_loop3A_204, %parallel_loop3A_262 : vector<16xf32>
        %parallel_loop3A_271 = arith.constant 0 : i32
        %parallel_loop3A_272 = vector.broadcast %parallel_loop3A_271 : i32 to vector<16xi32>
        %parallel_loop3A_273 = arith.addi %parallel_loop3A_228, %parallel_loop3A_272 : vector<16xi32>
        %parallel_loop3A_274 = tpu.vector_load_idx %arg5[%parallel_loop3A_273] : memref<107811xf32, #tpu.memory_space<vmem>>[vector<16xi32>], vector<16xf32>,
        %parallel_loop3A_275 = arith.constant 0 : i32
        %parallel_loop3A_276 = vector.broadcast %parallel_loop3A_275 : i32 to vector<16xi32>
        %parallel_loop3A_277 = arith.addi %parallel_loop3A_231, %parallel_loop3A_276 : vector<16xi32>
        %parallel_loop3A_278 = tpu.vector_load_idx %arg5[%parallel_loop3A_277] : memref<107811xf32, #tpu.memory_space<vmem>>[vector<16xi32>], vector<16xf32>,
        %parallel_loop3A_279 = arith.constant 0 : i32
        %parallel_loop3A_280 = vector.broadcast %parallel_loop3A_279 : i32 to vector<16xi32>
        %parallel_loop3A_281 = arith.addi %parallel_loop3A_234, %parallel_loop3A_280 : vector<16xi32>
        %parallel_loop3A_282 = tpu.vector_load_idx %arg5[%parallel_loop3A_281] : memref<107811xf32, #tpu.memory_space<vmem>>[vector<16xi32>], vector<16xf32>,
        %parallel_loop3A_283 = arith.constant 0 : i32
        %parallel_loop3A_284 = vector.broadcast %parallel_loop3A_283 : i32 to vector<16xi32>
        %parallel_loop3A_285 = arith.addi %parallel_loop3A_237, %parallel_loop3A_284 : vector<16xi32>
        %parallel_loop3A_286 = tpu.vector_load_idx %arg5[%parallel_loop3A_285] : memref<107811xf32, #tpu.memory_space<vmem>>[vector<16xi32>], vector<16xf32>,
        %parallel_loop3A_287 = arith.constant 0 : i32
        %parallel_loop3A_288 = vector.broadcast %parallel_loop3A_287 : i32 to vector<16xi32>
        %parallel_loop3A_289 = arith.addi %parallel_loop3A_240, %parallel_loop3A_288 : vector<16xi32>
        %parallel_loop3A_290 = tpu.vector_load_idx %arg5[%parallel_loop3A_289] : memref<107811xf32, #tpu.memory_space<vmem>>[vector<16xi32>], vector<16xf32>,
        %parallel_loop3A_291 = arith.constant 0 : i32
        %parallel_loop3A_292 = vector.broadcast %parallel_loop3A_291 : i32 to vector<16xi32>
        %parallel_loop3A_293 = arith.addi %parallel_loop3A_243, %parallel_loop3A_292 : vector<16xi32>
        %parallel_loop3A_294 = tpu.vector_load_idx %arg5[%parallel_loop3A_293] : memref<107811xf32, #tpu.memory_space<vmem>>[vector<16xi32>], vector<16xf32>,
        %parallel_loop3A_295 = arith.constant 0 : i32
        %parallel_loop3A_296 = vector.broadcast %parallel_loop3A_295 : i32 to vector<16xi32>
        %parallel_loop3A_297 = arith.addi %parallel_loop3A_246, %parallel_loop3A_296 : vector<16xi32>
        %parallel_loop3A_298 = tpu.vector_load_idx %arg5[%parallel_loop3A_297] : memref<107811xf32, #tpu.memory_space<vmem>>[vector<16xi32>], vector<16xf32>,
        %parallel_loop3A_299 = arith.constant 0 : i32
        %parallel_loop3A_300 = vector.broadcast %parallel_loop3A_299 : i32 to vector<16xi32>
        %parallel_loop3A_301 = arith.addi %parallel_loop3A_249, %parallel_loop3A_300 : vector<16xi32>
        %parallel_loop3A_302 = tpu.vector_load_idx %arg5[%parallel_loop3A_301] : memref<107811xf32, #tpu.memory_space<vmem>>[vector<16xi32>], vector<16xf32>,
        %parallel_loop3A_303 = arith.mulf %parallel_loop3A_274, %parallel_loop3A_263 : vector<16xf32>
        %parallel_loop3A_304 = arith.mulf %parallel_loop3A_278, %parallel_loop3A_264 : vector<16xf32>
        %parallel_loop3A_305 = arith.addf %parallel_loop3A_303, %parallel_loop3A_304 : vector<16xf32>
        %parallel_loop3A_306 = arith.mulf %parallel_loop3A_282, %parallel_loop3A_265 : vector<16xf32>
        %parallel_loop3A_307 = arith.mulf %parallel_loop3A_286, %parallel_loop3A_266 : vector<16xf32>
        %parallel_loop3A_308 = arith.addf %parallel_loop3A_306, %parallel_loop3A_307 : vector<16xf32>
        %parallel_loop3A_309 = arith.mulf %parallel_loop3A_290, %parallel_loop3A_267 : vector<16xf32>
        %parallel_loop3A_310 = arith.mulf %parallel_loop3A_294, %parallel_loop3A_268 : vector<16xf32>
        %parallel_loop3A_311 = arith.addf %parallel_loop3A_309, %parallel_loop3A_310 : vector<16xf32>
        %parallel_loop3A_312 = arith.mulf %parallel_loop3A_298, %parallel_loop3A_269 : vector<16xf32>
        %parallel_loop3A_313 = arith.mulf %parallel_loop3A_302, %parallel_loop3A_270 : vector<16xf32>
        %parallel_loop3A_314 = arith.addf %parallel_loop3A_312, %parallel_loop3A_313 : vector<16xf32>
        %parallel_loop3A_315 = arith.addf %parallel_loop3A_305, %parallel_loop3A_308 : vector<16xf32>
        %parallel_loop3A_316 = arith.addf %parallel_loop3A_311, %parallel_loop3A_314 : vector<16xf32>
        %parallel_loop3A_317 = arith.addf %parallel_loop3A_315, %parallel_loop3A_316 : vector<16xf32>
        %parallel_loop3A_318 = arith.constant 3888 : i32
        %parallel_loop3A_319 = arith.addi %parallel_loop3A_318, %parallel_loop3A_184 : i32
        %parallel_loop3A_320 = arith.index_cast %parallel_loop3A_319 : i32 to index
        %parallel_loop3A_321 = tpu.vector_load %arg7[%parallel_loop3A_320] {strides = array<i32>} : memref<7776xf32, #tpu.memory_space<vmem>>, vector<16xf32>,
        tpu.vector_store %arg7[%parallel_loop3A_320], %parallel_loop3A_317 {strides = array<i32>} : memref<7776xf32, #tpu.memory_space<vmem>>, vector<16xf32>,
        %parallel_loop3A_322 = arith.constant 35937 : i32
        %parallel_loop3A_323 = vector.broadcast %parallel_loop3A_322 : i32 to vector<16xi32>
        %parallel_loop3A_324 = arith.addi %parallel_loop3A_228, %parallel_loop3A_323 : vector<16xi32>
        %parallel_loop3A_325 = tpu.vector_load_idx %arg5[%parallel_loop3A_324] : memref<107811xf32, #tpu.memory_space<vmem>>[vector<16xi32>], vector<16xf32>,
        %parallel_loop3A_326 = arith.constant 35937 : i32
        %parallel_loop3A_327 = vector.broadcast %parallel_loop3A_326 : i32 to vector<16xi32>
        %parallel_loop3A_328 = arith.addi %parallel_loop3A_231, %parallel_loop3A_327 : vector<16xi32>
        %parallel_loop3A_329 = tpu.vector_load_idx %arg5[%parallel_loop3A_328] : memref<107811xf32, #tpu.memory_space<vmem>>[vector<16xi32>], vector<16xf32>,
        %parallel_loop3A_330 = arith.constant 35937 : i32
        %parallel_loop3A_331 = vector.broadcast %parallel_loop3A_330 : i32 to vector<16xi32>
        %parallel_loop3A_332 = arith.addi %parallel_loop3A_234, %parallel_loop3A_331 : vector<16xi32>
        %parallel_loop3A_333 = tpu.vector_load_idx %arg5[%parallel_loop3A_332] : memref<107811xf32, #tpu.memory_space<vmem>>[vector<16xi32>], vector<16xf32>,
        %parallel_loop3A_334 = arith.constant 35937 : i32
        %parallel_loop3A_335 = vector.broadcast %parallel_loop3A_334 : i32 to vector<16xi32>
        %parallel_loop3A_336 = arith.addi %parallel_loop3A_237, %parallel_loop3A_335 : vector<16xi32>
        %parallel_loop3A_337 = tpu.vector_load_idx %arg5[%parallel_loop3A_336] : memref<107811xf32, #tpu.memory_space<vmem>>[vector<16xi32>], vector<16xf32>,
        %parallel_loop3A_338 = arith.constant 35937 : i32
        %parallel_loop3A_339 = vector.broadcast %parallel_loop3A_338 : i32 to vector<16xi32>
        %parallel_loop3A_340 = arith.addi %parallel_loop3A_240, %parallel_loop3A_339 : vector<16xi32>
        %parallel_loop3A_341 = tpu.vector_load_idx %arg5[%parallel_loop3A_340] : memref<107811xf32, #tpu.memory_space<vmem>>[vector<16xi32>], vector<16xf32>,
        %parallel_loop3A_342 = arith.constant 35937 : i32
        %parallel_loop3A_343 = vector.broadcast %parallel_loop3A_342 : i32 to vector<16xi32>
        %parallel_loop3A_344 = arith.addi %parallel_loop3A_243, %parallel_loop3A_343 : vector<16xi32>
        %parallel_loop3A_345 = tpu.vector_load_idx %arg5[%parallel_loop3A_344] : memref<107811xf32, #tpu.memory_space<vmem>>[vector<16xi32>], vector<16xf32>,
        %parallel_loop3A_346 = arith.constant 35937 : i32
        %parallel_loop3A_347 = vector.broadcast %parallel_loop3A_346 : i32 to vector<16xi32>
        %parallel_loop3A_348 = arith.addi %parallel_loop3A_246, %parallel_loop3A_347 : vector<16xi32>
        %parallel_loop3A_349 = tpu.vector_load_idx %arg5[%parallel_loop3A_348] : memref<107811xf32, #tpu.memory_space<vmem>>[vector<16xi32>], vector<16xf32>,
        %parallel_loop3A_350 = arith.constant 35937 : i32
        %parallel_loop3A_351 = vector.broadcast %parallel_loop3A_350 : i32 to vector<16xi32>
        %parallel_loop3A_352 = arith.addi %parallel_loop3A_249, %parallel_loop3A_351 : vector<16xi32>
        %parallel_loop3A_353 = tpu.vector_load_idx %arg5[%parallel_loop3A_352] : memref<107811xf32, #tpu.memory_space<vmem>>[vector<16xi32>], vector<16xf32>,
        %parallel_loop3A_354 = arith.mulf %parallel_loop3A_325, %parallel_loop3A_263 : vector<16xf32>
        %parallel_loop3A_355 = arith.mulf %parallel_loop3A_329, %parallel_loop3A_264 : vector<16xf32>
        %parallel_loop3A_356 = arith.addf %parallel_loop3A_354, %parallel_loop3A_355 : vector<16xf32>
        %parallel_loop3A_357 = arith.mulf %parallel_loop3A_333, %parallel_loop3A_265 : vector<16xf32>
        %parallel_loop3A_358 = arith.mulf %parallel_loop3A_337, %parallel_loop3A_266 : vector<16xf32>
        %parallel_loop3A_359 = arith.addf %parallel_loop3A_357, %parallel_loop3A_358 : vector<16xf32>
        %parallel_loop3A_360 = arith.mulf %parallel_loop3A_341, %parallel_loop3A_267 : vector<16xf32>
        %parallel_loop3A_361 = arith.mulf %parallel_loop3A_345, %parallel_loop3A_268 : vector<16xf32>
        %parallel_loop3A_362 = arith.addf %parallel_loop3A_360, %parallel_loop3A_361 : vector<16xf32>
        %parallel_loop3A_363 = arith.mulf %parallel_loop3A_349, %parallel_loop3A_269 : vector<16xf32>
        %parallel_loop3A_364 = arith.mulf %parallel_loop3A_353, %parallel_loop3A_270 : vector<16xf32>
        %parallel_loop3A_365 = arith.addf %parallel_loop3A_363, %parallel_loop3A_364 : vector<16xf32>
        %parallel_loop3A_366 = arith.addf %parallel_loop3A_356, %parallel_loop3A_359 : vector<16xf32>
        %parallel_loop3A_367 = arith.addf %parallel_loop3A_362, %parallel_loop3A_365 : vector<16xf32>
        %parallel_loop3A_368 = arith.addf %parallel_loop3A_366, %parallel_loop3A_367 : vector<16xf32>
        %parallel_loop3A_369 = arith.constant 5184 : i32
        %parallel_loop3A_370 = arith.addi %parallel_loop3A_369, %parallel_loop3A_184 : i32
        %parallel_loop3A_371 = arith.index_cast %parallel_loop3A_370 : i32 to index
        %parallel_loop3A_372 = tpu.vector_load %arg7[%parallel_loop3A_371] {strides = array<i32>} : memref<7776xf32, #tpu.memory_space<vmem>>, vector<16xf32>,
        tpu.vector_store %arg7[%parallel_loop3A_371], %parallel_loop3A_368 {strides = array<i32>} : memref<7776xf32, #tpu.memory_space<vmem>>, vector<16xf32>,
        %parallel_loop3A_373 = arith.constant 71874 : i32
        %parallel_loop3A_374 = vector.broadcast %parallel_loop3A_373 : i32 to vector<16xi32>
        %parallel_loop3A_375 = arith.addi %parallel_loop3A_228, %parallel_loop3A_374 : vector<16xi32>
        %parallel_loop3A_376 = tpu.vector_load_idx %arg5[%parallel_loop3A_375] : memref<107811xf32, #tpu.memory_space<vmem>>[vector<16xi32>], vector<16xf32>,
        %parallel_loop3A_377 = arith.constant 71874 : i32
        %parallel_loop3A_378 = vector.broadcast %parallel_loop3A_377 : i32 to vector<16xi32>
        %parallel_loop3A_379 = arith.addi %parallel_loop3A_231, %parallel_loop3A_378 : vector<16xi32>
        %parallel_loop3A_380 = tpu.vector_load_idx %arg5[%parallel_loop3A_379] : memref<107811xf32, #tpu.memory_space<vmem>>[vector<16xi32>], vector<16xf32>,
        %parallel_loop3A_381 = arith.constant 71874 : i32
        %parallel_loop3A_382 = vector.broadcast %parallel_loop3A_381 : i32 to vector<16xi32>
        %parallel_loop3A_383 = arith.addi %parallel_loop3A_234, %parallel_loop3A_382 : vector<16xi32>
        %parallel_loop3A_384 = tpu.vector_load_idx %arg5[%parallel_loop3A_383] : memref<107811xf32, #tpu.memory_space<vmem>>[vector<16xi32>], vector<16xf32>,
        %parallel_loop3A_385 = arith.constant 71874 : i32
        %parallel_loop3A_386 = vector.broadcast %parallel_loop3A_385 : i32 to vector<16xi32>
        %parallel_loop3A_387 = arith.addi %parallel_loop3A_237, %parallel_loop3A_386 : vector<16xi32>
        %parallel_loop3A_388 = tpu.vector_load_idx %arg5[%parallel_loop3A_387] : memref<107811xf32, #tpu.memory_space<vmem>>[vector<16xi32>], vector<16xf32>,
        %parallel_loop3A_389 = arith.constant 71874 : i32
        %parallel_loop3A_390 = vector.broadcast %parallel_loop3A_389 : i32 to vector<16xi32>
        %parallel_loop3A_391 = arith.addi %parallel_loop3A_240, %parallel_loop3A_390 : vector<16xi32>
        %parallel_loop3A_392 = tpu.vector_load_idx %arg5[%parallel_loop3A_391] : memref<107811xf32, #tpu.memory_space<vmem>>[vector<16xi32>], vector<16xf32>,
        %parallel_loop3A_393 = arith.constant 71874 : i32
        %parallel_loop3A_394 = vector.broadcast %parallel_loop3A_393 : i32 to vector<16xi32>
        %parallel_loop3A_395 = arith.addi %parallel_loop3A_243, %parallel_loop3A_394 : vector<16xi32>
        %parallel_loop3A_396 = tpu.vector_load_idx %arg5[%parallel_loop3A_395] : memref<107811xf32, #tpu.memory_space<vmem>>[vector<16xi32>], vector<16xf32>,
        %parallel_loop3A_397 = arith.constant 71874 : i32
        %parallel_loop3A_398 = vector.broadcast %parallel_loop3A_397 : i32 to vector<16xi32>
        %parallel_loop3A_399 = arith.addi %parallel_loop3A_246, %parallel_loop3A_398 : vector<16xi32>
        %parallel_loop3A_400 = tpu.vector_load_idx %arg5[%parallel_loop3A_399] : memref<107811xf32, #tpu.memory_space<vmem>>[vector<16xi32>], vector<16xf32>,
        %parallel_loop3A_401 = arith.constant 71874 : i32
        %parallel_loop3A_402 = vector.broadcast %parallel_loop3A_401 : i32 to vector<16xi32>
        %parallel_loop3A_403 = arith.addi %parallel_loop3A_249, %parallel_loop3A_402 : vector<16xi32>
        %parallel_loop3A_404 = tpu.vector_load_idx %arg5[%parallel_loop3A_403] : memref<107811xf32, #tpu.memory_space<vmem>>[vector<16xi32>], vector<16xf32>,
        %parallel_loop3A_405 = arith.mulf %parallel_loop3A_376, %parallel_loop3A_263 : vector<16xf32>
        %parallel_loop3A_406 = arith.mulf %parallel_loop3A_380, %parallel_loop3A_264 : vector<16xf32>
        %parallel_loop3A_407 = arith.addf %parallel_loop3A_405, %parallel_loop3A_406 : vector<16xf32>
        %parallel_loop3A_408 = arith.mulf %parallel_loop3A_384, %parallel_loop3A_265 : vector<16xf32>
        %parallel_loop3A_409 = arith.mulf %parallel_loop3A_388, %parallel_loop3A_266 : vector<16xf32>
        %parallel_loop3A_410 = arith.addf %parallel_loop3A_408, %parallel_loop3A_409 : vector<16xf32>
        %parallel_loop3A_411 = arith.mulf %parallel_loop3A_392, %parallel_loop3A_267 : vector<16xf32>
        %parallel_loop3A_412 = arith.mulf %parallel_loop3A_396, %parallel_loop3A_268 : vector<16xf32>
        %parallel_loop3A_413 = arith.addf %parallel_loop3A_411, %parallel_loop3A_412 : vector<16xf32>
        %parallel_loop3A_414 = arith.mulf %parallel_loop3A_400, %parallel_loop3A_269 : vector<16xf32>
        %parallel_loop3A_415 = arith.mulf %parallel_loop3A_404, %parallel_loop3A_270 : vector<16xf32>
        %parallel_loop3A_416 = arith.addf %parallel_loop3A_414, %parallel_loop3A_415 : vector<16xf32>
        %parallel_loop3A_417 = arith.addf %parallel_loop3A_407, %parallel_loop3A_410 : vector<16xf32>
        %parallel_loop3A_418 = arith.addf %parallel_loop3A_413, %parallel_loop3A_416 : vector<16xf32>
        %parallel_loop3A_419 = arith.addf %parallel_loop3A_417, %parallel_loop3A_418 : vector<16xf32>
        %parallel_loop3A_420 = arith.constant 6480 : i32
        %parallel_loop3A_421 = arith.addi %parallel_loop3A_420, %parallel_loop3A_184 : i32
        %parallel_loop3A_422 = arith.index_cast %parallel_loop3A_421 : i32 to index
        %parallel_loop3A_423 = tpu.vector_load %arg7[%parallel_loop3A_422] {strides = array<i32>} : memref<7776xf32, #tpu.memory_space<vmem>>, vector<16xf32>,
        tpu.vector_store %arg7[%parallel_loop3A_422], %parallel_loop3A_419 {strides = array<i32>} : memref<7776xf32, #tpu.memory_space<vmem>>, vector<16xf32>,
      } {sc.loop_unroll_factor = 1 : i64, sc.parallel_access}
      %mul3A_147 = arith.constant 1296 : i32
      %mul3A_148 = arith.muli %add3A_130, %mul3A_147 : i32
      %add3A_149 = arith.addi %mul3A_2, %mul3A_148 : i32
      %add3A_150 = arith.constant 0 : i32
      %add3A_151 = arith.addi %add3A_150, %add3A_149 : i32
      %dma_start3A_152 = arith.constant 3888 : i32
      %dma_start3A_153 = tpu.memref_slice %arg7[%dma_start3A_152] : memref<7776xf32, #tpu.memory_space<vmem>> -> memref<1296xf32, #tpu.memory_space<vmem>>
      %dma_start3A_154 = tpu.memref_slice %arg4[%add3A_151] : memref<6220800xf32, #tpu.memory_space<hbm>> -> memref<1296xf32, #tpu.memory_space<hbm>>
      %dma_start3A_155 = tpu.memref_slice %arg4[%add3A_151] : memref<6220800xf32, #tpu.memory_space<hbm>> -> memref<1296xf32, #tpu.memory_space<hbm>>
      %dma_start3A_156 = arith.constant 3888 : i32
      %dma_start3A_157 = tpu.memref_slice %arg7[%dma_start3A_156] : memref<7776xf32, #tpu.memory_space<vmem>> -> memref<1296xf32, #tpu.memory_space<vmem>>
      tpu.enqueue_dma source(%dma_start3A_157 : memref<1296xf32, #tpu.memory_space<vmem>>) target(%dma_start3A_155 : memref<1296xf32, #tpu.memory_space<hbm>>) target_semaphore(%arg11 : memref<!tpu.dma_semaphore, #tpu.memory_space<semaphore_mem>>)
      %add3A_158 = arith.constant 2073600 : i32
      %add3A_159 = arith.addi %add3A_158, %add3A_149 : i32
      %dma_start3A_160 = arith.constant 5184 : i32
      %dma_start3A_161 = tpu.memref_slice %arg7[%dma_start3A_160] : memref<7776xf32, #tpu.memory_space<vmem>> -> memref<1296xf32, #tpu.memory_space<vmem>>
      %dma_start3A_162 = tpu.memref_slice %arg4[%add3A_159] : memref<6220800xf32, #tpu.memory_space<hbm>> -> memref<1296xf32, #tpu.memory_space<hbm>>
      %dma_start3A_163 = tpu.memref_slice %arg4[%add3A_159] : memref<6220800xf32, #tpu.memory_space<hbm>> -> memref<1296xf32, #tpu.memory_space<hbm>>
      %dma_start3A_164 = arith.constant 5184 : i32
      %dma_start3A_165 = tpu.memref_slice %arg7[%dma_start3A_164] : memref<7776xf32, #tpu.memory_space<vmem>> -> memref<1296xf32, #tpu.memory_space<vmem>>
      tpu.enqueue_dma source(%dma_start3A_165 : memref<1296xf32, #tpu.memory_space<vmem>>) target(%dma_start3A_163 : memref<1296xf32, #tpu.memory_space<hbm>>) target_semaphore(%arg11 : memref<!tpu.dma_semaphore, #tpu.memory_space<semaphore_mem>>)
      %add3A_166 = arith.constant 4147200 : i32
      %add3A_167 = arith.addi %add3A_166, %add3A_149 : i32
      %dma_start3A_168 = arith.constant 6480 : i32
      %dma_start3A_169 = tpu.memref_slice %arg7[%dma_start3A_168] : memref<7776xf32, #tpu.memory_space<vmem>> -> memref<1296xf32, #tpu.memory_space<vmem>>
      %dma_start3A_170 = tpu.memref_slice %arg4[%add3A_167] : memref<6220800xf32, #tpu.memory_space<hbm>> -> memref<1296xf32, #tpu.memory_space<hbm>>
      %dma_start3A_171 = tpu.memref_slice %arg4[%add3A_167] : memref<6220800xf32, #tpu.memory_space<hbm>> -> memref<1296xf32, #tpu.memory_space<hbm>>
      %dma_start3A_172 = arith.constant 6480 : i32
      %dma_start3A_173 = tpu.memref_slice %arg7[%dma_start3A_172] : memref<7776xf32, #tpu.memory_space<vmem>> -> memref<1296xf32, #tpu.memory_space<vmem>>
      tpu.enqueue_dma source(%dma_start3A_173 : memref<1296xf32, #tpu.memory_space<vmem>>) target(%dma_start3A_171 : memref<1296xf32, #tpu.memory_space<hbm>>) target_semaphore(%arg11 : memref<!tpu.dma_semaphore, #tpu.memory_space<semaphore_mem>>)
      %add3A_174 = arith.constant 2 : i32
      %add3A_175 = arith.addi %add3A_130, %add3A_174 : i32
      %lt3A_176 = arith.constant 50 : i32
      %lt3A_177 = arith.cmpi slt, %add3A_175, %lt3A_176 : i32
      %convert_element_type3A_178 = arith.extui %lt3A_177 : i1 to i32
      %cond3A_179 = arith.constant 0 : i32
      %cond3A_180 = arith.cmpi ne, %convert_element_type3A_178, %cond3A_179 : i32
      scf.if %cond3A_180 {
        %add3A_182 = arith.constant 2 : i32
        %add3A_183 = arith.addi %add3A_130, %add3A_182 : i32
        %mul3A_184 = arith.constant 1296 : i32
        %mul3A_185 = arith.muli %add3A_183, %mul3A_184 : i32
        %add3A_186 = arith.addi %mul3A_2, %mul3A_185 : i32
        %add3A_187 = arith.constant 0 : i32
        %add3A_188 = arith.addi %add3A_187, %add3A_186 : i32
        %dma_start3A_189 = arith.constant 3888 : i32
        %dma_start3A_190 = tpu.memref_slice %arg6[%dma_start3A_189] : memref<7776xf32, #tpu.memory_space<vmem>> -> memref<1296xf32, #tpu.memory_space<vmem>>
        %dma_start3A_191 = tpu.memref_slice %arg2[%add3A_188] : memref<6220800xf32, #tpu.memory_space<hbm>> -> memref<1296xf32, #tpu.memory_space<hbm>>
        %dma_start3A_192 = arith.constant 3888 : i32
        %dma_start3A_193 = tpu.memref_slice %arg6[%dma_start3A_192] : memref<7776xf32, #tpu.memory_space<vmem>> -> memref<1296xf32, #tpu.memory_space<vmem>>
        %dma_start3A_194 = tpu.memref_slice %arg2[%add3A_188] : memref<6220800xf32, #tpu.memory_space<hbm>> -> memref<1296xf32, #tpu.memory_space<hbm>>
        tpu.enqueue_dma source(%dma_start3A_194 : memref<1296xf32, #tpu.memory_space<hbm>>) target(%dma_start3A_193 : memref<1296xf32, #tpu.memory_space<vmem>>) target_semaphore(%arg9 : memref<!tpu.dma_semaphore, #tpu.memory_space<semaphore_mem>>)
        %add3A_195 = arith.constant 2073600 : i32
        %add3A_196 = arith.addi %add3A_195, %add3A_186 : i32
        %dma_start3A_197 = arith.constant 5184 : i32
        %dma_start3A_198 = tpu.memref_slice %arg6[%dma_start3A_197] : memref<7776xf32, #tpu.memory_space<vmem>> -> memref<1296xf32, #tpu.memory_space<vmem>>
        %dma_start3A_199 = tpu.memref_slice %arg2[%add3A_196] : memref<6220800xf32, #tpu.memory_space<hbm>> -> memref<1296xf32, #tpu.memory_space<hbm>>
        %dma_start3A_200 = arith.constant 5184 : i32
        %dma_start3A_201 = tpu.memref_slice %arg6[%dma_start3A_200] : memref<7776xf32, #tpu.memory_space<vmem>> -> memref<1296xf32, #tpu.memory_space<vmem>>
        %dma_start3A_202 = tpu.memref_slice %arg2[%add3A_196] : memref<6220800xf32, #tpu.memory_space<hbm>> -> memref<1296xf32, #tpu.memory_space<hbm>>
        tpu.enqueue_dma source(%dma_start3A_202 : memref<1296xf32, #tpu.memory_space<hbm>>) target(%dma_start3A_201 : memref<1296xf32, #tpu.memory_space<vmem>>) target_semaphore(%arg9 : memref<!tpu.dma_semaphore, #tpu.memory_space<semaphore_mem>>)
        %add3A_203 = arith.constant 4147200 : i32
        %add3A_204 = arith.addi %add3A_203, %add3A_186 : i32
        %dma_start3A_205 = arith.constant 6480 : i32
        %dma_start3A_206 = tpu.memref_slice %arg6[%dma_start3A_205] : memref<7776xf32, #tpu.memory_space<vmem>> -> memref<1296xf32, #tpu.memory_space<vmem>>
        %dma_start3A_207 = tpu.memref_slice %arg2[%add3A_204] : memref<6220800xf32, #tpu.memory_space<hbm>> -> memref<1296xf32, #tpu.memory_space<hbm>>
        %dma_start3A_208 = arith.constant 6480 : i32
        %dma_start3A_209 = tpu.memref_slice %arg6[%dma_start3A_208] : memref<7776xf32, #tpu.memory_space<vmem>> -> memref<1296xf32, #tpu.memory_space<vmem>>
        %dma_start3A_210 = tpu.memref_slice %arg2[%add3A_204] : memref<6220800xf32, #tpu.memory_space<hbm>> -> memref<1296xf32, #tpu.memory_space<hbm>>
        tpu.enqueue_dma source(%dma_start3A_210 : memref<1296xf32, #tpu.memory_space<hbm>>) target(%dma_start3A_209 : memref<1296xf32, #tpu.memory_space<vmem>>) target_semaphore(%arg9 : memref<!tpu.dma_semaphore, #tpu.memory_space<semaphore_mem>>)
      } else {
      }
      %scan3A_181 = arith.constant 0 : i32
      scf.yield %scan3A_181 : i32
    }
    %scan3A_60 = arith.constant 25 : i32
    %dma_wait3A = arith.constant 0 : i32
    %dma_wait3A_61 = tpu.memref_slice %arg7[%dma_wait3A] : memref<7776xf32, #tpu.memory_space<vmem>> -> memref<3888xf32, #tpu.memory_space<vmem>>
    %dma_wait3A_62 = arith.constant 0 : i32
    %dma_wait3A_63 = tpu.memref_slice %arg4[%dma_wait3A_62] : memref<6220800xf32, #tpu.memory_space<hbm>> -> memref<3888xf32, #tpu.memory_space<hbm>>
    %dma_wait3A_64 = arith.constant 0 : i32
    %dma_wait3A_65 = tpu.memref_slice %arg4[%dma_wait3A_64] : memref<6220800xf32, #tpu.memory_space<hbm>> -> memref<3888xf32, #tpu.memory_space<hbm>>
    %dma_wait3A_66 = arith.constant 0 : i32
    %dma_wait3A_67 = tpu.memref_slice %arg7[%dma_wait3A_66] : memref<7776xf32, #tpu.memory_space<vmem>> -> memref<3888xf32, #tpu.memory_space<vmem>>
    tpu.wait_dma2 semaphore(%arg10 : memref<!tpu.dma_semaphore, #tpu.memory_space<semaphore_mem>>) src(%dma_wait3A_67 : memref<3888xf32, #tpu.memory_space<vmem>>) dst(%dma_wait3A_65 : memref<3888xf32, #tpu.memory_space<hbm>>)
    %dma_wait3A_68 = arith.constant 3888 : i32
    %dma_wait3A_69 = tpu.memref_slice %arg7[%dma_wait3A_68] : memref<7776xf32, #tpu.memory_space<vmem>> -> memref<3888xf32, #tpu.memory_space<vmem>>
    %dma_wait3A_70 = arith.constant 0 : i32
    %dma_wait3A_71 = tpu.memref_slice %arg4[%dma_wait3A_70] : memref<6220800xf32, #tpu.memory_space<hbm>> -> memref<3888xf32, #tpu.memory_space<hbm>>
    %dma_wait3A_72 = arith.constant 0 : i32
    %dma_wait3A_73 = tpu.memref_slice %arg4[%dma_wait3A_72] : memref<6220800xf32, #tpu.memory_space<hbm>> -> memref<3888xf32, #tpu.memory_space<hbm>>
    %dma_wait3A_74 = arith.constant 3888 : i32
    %dma_wait3A_75 = tpu.memref_slice %arg7[%dma_wait3A_74] : memref<7776xf32, #tpu.memory_space<vmem>> -> memref<3888xf32, #tpu.memory_space<vmem>>
    tpu.wait_dma2 semaphore(%arg11 : memref<!tpu.dma_semaphore, #tpu.memory_space<semaphore_mem>>) src(%dma_wait3A_75 : memref<3888xf32, #tpu.memory_space<vmem>>) dst(%dma_wait3A_73 : memref<3888xf32, #tpu.memory_space<hbm>>)
    return
  }
}

</mosaic_0001>

<sc_bundles>
// kernel: kernel.3.cloned.1.call-start
scs
__scs_entry_jumppad:
0x0: {  	(pc) =	sbr.rel $0x88, $3  }
0x1: {  	(tag) =	ssettag $0x0;
	lr =	simm.s32 $0x1  }
0x2: {  	[smem:$0x3F9F] =	sst lr;
	_ =	strace $0xD0000000  }
0x3: {  	_ = 	snop  }
0x4: {  	_ = 	snop  }
0x5: {  	_ = 	snop  }
0x6: {  	_ = 	snop  }
0x7: {  	_ = 	snop  }
__scs_overlays_trampoline_lowered:
0x8: {  	[smem:$0x3FAE] =	sst s0  }
0x9: {  	[smem:$0x3FAF] =	sst s1  }
0xa: {  	[smem:$0x3FB0] =	sst s2  }
0xb: {  	[smem:$0x3FB1] =	sst s3  }
0xc: {  	[smem:$0x3FB2] =	sst s4  }
0xd: {  	[smem:$0x3FB3] =	sst s5  }
0xe: {  	[smem:$0x3FB4] =	sst s6  }
0xf: {  	[smem:$0x3FB5] =	sst s7  }
0x10: {  	[smem:$0x3FB6] =	sst s8  }
0x11: {  	[smem:$0x3FB7] =	sst s9;
	s0 =	simm.s32 @!p0 $0x0  }
0x12: {  	s1 =	sld [smem:$0x3F9D];
	s0 =	simm.s32 @p0 $0x1  }
0x13: {  	[smem:$0x3FB8] =	sst s0;
	s0 =	simm.s32 @!p1 $0x0  }
0x14: {  	s2 =	sld [smem:$0x3F9C];
	s0 =	simm.s32 @p1 $0x1  }
0x15: {  	[smem:$0x3FB9] =	sst s0;
	s0 =	simm.s32 @!p2 $0x0  }
0x16: {  	s3 =	sld [smem:$0x3FDB];
	s0 =	simm.s32 @p2 $0x1  }
0x17: {  	s4 =	simm.s32 $0x1BF5;
	[smem:$0x3FBB] =	sst s0  }
0x18: {  	s0 =	sld [smem:$0x3F9E];
	_ =	swait.ge [sflag:s4], $0x0  }
0x19: {  	s7 =	sld [smem:$0x3F9F]  }
0x1a: {  	s8 =	sadd.s32 $0xFFFFE003, lr  }
0x1b: {  	s9 =	sadd.s32 $0xFFFFFEF7, lr;
	s5 =	simm.s32 $0xFFFFFFFF;
	p2 =	slt.u32 s8, $0xFFFFF086  }
0x1c: {  	p1 =	slt.u32 s9, $0xF7A;
	s5 =	simm.s32 @!p2 $0x0  }
0x1d: {  	s5 =	simm.s32 @p1 $0x1;
	p0 =	seq.s32 s7, s2  }
0x1e: {  	s7 =	smul.u32 @!p0 $0xF7A, s2;
	p2 =	seq.s32 @!p0 s5, $0x0  }
0x1f: {  	s9 =	smul.u32 $0xF7A, s1;
	s8 =	simm.s32 @!p0 $0x1BF5;
	p2 =	por !p2, p0  }
0x20: {  	[sflag:s8] =	ssyncset.s32 @!p0 $0xFFFFF086;
	s6 =	sadd.s32 @!p0 s3, s7;
	s7 =	simm.s32 @!p0 $0x108  }
0x21: {  	s3 =	sadd.s32 s3, s9;
	s6 =	sadd.s32 @!p0 $0x88, s6;
	s7 =	simm.s32 @p2 $0x1082  }
0x22: {  	[simem:s7], [sflag:s8] =	dma.local @!p0 [hbm:s6], $0xF7A  }
0x23: {  	s9 =	sor.u32 $0xD0000000, s2;
	s6 =	simm.s32 $0x108;
	_ =	swait.ge @!p0 [sflag:s8], $0x0  }
0x24: {  	s3 =	sadd.s32 $0x88, s3;
	s6 =	simm.s32 @!p1 $0x1082;
	[sflag:s4] =	ssyncset.s32 $0xFFFFF086  }
0x25: {  	[simem:s6], [sflag:s4] =	dma.local [hbm:s3], $0xF7A  }
0x26: {  	[smem:$0x3F9F] =	sst s1;
	(tag) =	ssettag s2;
	_ =	strace s9  }
0x27: {  	s1 =	sld [smem:$0x3FAF]  }
0x28: {  	s2 =	sld [smem:$0x3FB0]  }
0x29: {  	s4 =	sld [smem:$0x3FB2]  }
0x2a: {  	p0 =	seq.s32 s5, $0x0;
	s5 =	sld [smem:$0x3FB3]  }
0x2b: {  	s6 =	sld [smem:$0x3FB4]  }
0x2c: {  	s7 =	sld [smem:$0x3FB5]  }
0x2d: {  	s3 =	simm.s32 $0x108;
	s8 =	sld [smem:$0x3FB6]  }
0x2e: {  	s3 =	simm.s32 @!p0 $0x1082;
	s9 =	sld [smem:$0x3FB7]  }
0x2f: {  	lr =	sadd.s32 s0, s3;
	s0 =	sld [smem:$0x3FAE]  }
0x30: {  	s3 =	sld [smem:$0x3FB1]  }
0x31: {  	[smem:$0x3FBA] =	sst s10  }
0x32: {  	s10 =	sld [smem:$0x3FB8];
	_ =	sdelay $0x3  }
0x33: {  	p0 =	seq.s32 s10, $0x1;
	s10 =	sld [smem:$0x3FBA];
	_ =	sdelay $0x3  }
0x34: {  	[smem:$0x3FBA] =	sst s10  }
0x35: {  	s10 =	sld [smem:$0x3FB9];
	_ =	sdelay $0x3  }
0x36: {  	p1 =	seq.s32 s10, $0x1;
	s10 =	sld [smem:$0x3FBA];
	_ =	sdelay $0x3  }
0x37: {  	[smem:$0x3FBA] =	sst s10  }
0x38: {  	s10 =	sld [smem:$0x3FBB]  }
0x39: {  	_ = 	snop;
	(pc) =	sbr.ind lr, $3  }
0x3a: {  	_ = 	snop  }
0x3b: {  	_ = 	snop  }
0x3c: {  	p2 =	seq.s32 s10, $0x1;
	s10 =	sld [smem:$0x3FBA]  }
0x3d: {  	_ =	shalt  }
0x3e: {  	_ =	shalt  }
0x3f: {  	_ =	shalt  }
0x40: {  	_ =	shalt  }
0x41: {  	_ =	shalt  }
0x42: {  	_ =	shalt  }
0x43: {  	_ =	shalt  }
0x44: {  	_ =	shalt  }
0x45: {  	_ =	shalt  }
0x46: {  	_ =	shalt  }
0x47: {  	_ =	shalt  }
0x48: {  	_ =	shalt  }
0x49: {  	_ =	shalt  }
0x4a: {  	_ =	shalt  }
0x4b: {  	_ =	shalt  }
0x4c: {  	_ =	shalt  }
0x4d: {  	_ =	shalt  }
0x4e: {  	_ =	shalt  }
0x4f: {  	_ =	shalt  }
0x50: {  	_ =	shalt  }
0x51: {  	_ =	shalt  }
0x52: {  	_ =	shalt  }
0x53: {  	_ =	shalt  }
0x54: {  	_ =	shalt  }
0x55: {  	_ =	shalt  }
0x56: {  	_ =	shalt  }
0x57: {  	_ =	shalt  }
0x58: {  	_ =	shalt  }
0x59: {  	_ =	shalt  }
0x5a: {  	_ =	shalt  }
0x5b: {  	_ =	shalt  }
0x5c: {  	_ =	shalt  }
0x5d: {  	_ =	shalt  }
0x5e: {  	_ =	shalt  }
0x5f: {  	_ =	shalt  }
0x60: {  	_ =	shalt  }
0x61: {  	_ =	shalt  }
0x62: {  	_ =	shalt  }
0x63: {  	_ =	shalt  }
0x64: {  	_ =	shalt  }
0x65: {  	_ =	shalt  }
0x66: {  	_ =	shalt  }
0x67: {  	_ =	shalt  }
0x68: {  	_ =	shalt  }
0x69: {  	_ =	shalt  }
0x6a: {  	_ =	shalt  }
0x6b: {  	_ =	shalt  }
0x6c: {  	_ =	shalt  }
0x6d: {  	_ =	shalt  }
0x6e: {  	_ =	shalt  }
0x6f: {  	_ =	shalt  }
0x70: {  	_ =	shalt  }
0x71: {  	_ =	shalt  }
0x72: {  	_ =	shalt  }
0x73: {  	_ =	shalt  }
0x74: {  	_ =	shalt  }
0x75: {  	_ =	shalt  }
0x76: {  	_ =	shalt  }
0x77: {  	_ =	shalt  }
0x78: {  	_ =	shalt  }
0x79: {  	_ =	shalt  }
0x7a: {  	_ =	shalt  }
0x7b: {  	_ =	shalt  }
0x7c: {  	_ =	shalt  }
0x7d: {  	_ =	shalt  }
0x7e: {  	_ =	shalt  }
0x7f: {  	_ =	shalt  }
0x80: {  	_ =	shalt  }
0x81: {  	_ =	shalt  }
0x82: {  	_ =	shalt  }
0x83: {  	_ =	shalt  }
0x84: {  	_ =	shalt  }
0x85: {  	_ =	shalt  }
0x86: {  	_ =	shalt  }
0x87: {  	_ =	shalt  }
.Lfunc_end0:
.L_simem_size_0:
called_computation_lowered:
.L_overlay_start_0:
0x88: {  	s2 =	sld [smem:$0x3FD9]  }
0x89: {  	s3 =	sld [smem:$0x3FFE];
	_ =	sdelay $0x1  }
0x8a: {  	s1 =	srdreg.scid  }
0x8b: {  	s0 =	sand.u32 $0x1, s1  }
0x8c: {  	s17 =	sshll.u32 s0, $0xA;
	s2 =	sadd.s32 s3, s2  }
0x8d: {  	s2 =	sadd.s32 s2, s17  }
0x8e: {  	[smem:$0x3FC6] =	sst s2  }
0x8f: {  	_ = 	snop  }
0x90: {  	s2 =	sld [smem:$0x3FD0];
	(tm) =	ssettm $0x1  }
0x91: {  	s18 =	sld [smem:$0x3FFB];
	_ =	sdelay $0x3  }
0x92: {  	_ =	strace s18  }
0x93: {  	s3 =	sld [smem:$0x3FFC];
	_ =	sdelay $0x3  }
0x94: {  	_ =	strace s3  }
0x95: {  	s3 =	sld [smem:$0x3FFD];
	_ =	sdelay $0x3  }
0x96: {  	_ =	strace s3  }
0x97: {  	_ =	strace $0x8FFFFFFF  }
0x98: {  	s19 =	sld [smem:$0x3FDB];
	_ =	sdelay $0x1  }
0x99: {  	s4 =	simm.s32 $_scs_section_size  }
0x9a: {  	s5 =	simm.s32 $_size__tile_overlayer_lowered;
	s6 =	simm.s32 $_tile_overlayer_lowered  }
0x9b: {  	s22 =	simm.s32 $0x1BFF;
	s21 =	sshll.u32 s6, $0x1;
	s3 =	sadd.s32 s4, s19  }
0x9c: {  	s7 =	simm.s32 $0x0;
	s20 =	sshll.u32 s5, $0x1;
	s5 =	sadd.s32 s21, s3  }
0x9d: {  	[timem:s7], [sflag:s22] =	dma.local [hbm:s5], s20  }
0x9e: {  	_ =	swait.ge [sflag:s22], s20  }
0x9f: {  	s4 =	ssub.s32 $0x0, s20;
	[sflag:s22] =	ssyncset.done $0x0  }
0xa0: {  	[sflag:s22] =	ssyncadd.s32 s4;
	_ =	sdelay $0x1  }
0xa1: {  	s23 =	simm.s32 $0x1B8B  }
0xa2: {  	_ =	swait.ge [sflag:s23], $0x1  }
0xa3: {  	[sflag:s23] =	ssyncset.done $0x0  }
0xa4: {  	s25 =	simm.s32 $0x1B8E;
	s24 =	sld [smem:$0x3FFE];
	[sflag:s23] =	ssyncadd.s32 $0xFFFFFFFF  }
0xa5: {  	s26 =	simm.s32 $execute0_lowered;
	[smem:$0x3FD2] =	sst s25  }
0xa6: {  	s5 =	sshll.u32 s26, $0x1;
	_ =	strace $0x80000046;
	[dreg:$0x1] =	wrdreg $0xFFFFFFFF  }
0xa7: {  	s28 =	simm.s32 $_size_execute0_lowered;
	s3 =	sadd.s32 s3, s5;
	[dreg:$0x0] =	wrdreg $0x0  }
0xa8: {  	s5 =	sshll.u32 s28, $0x1;
	[dreg:$0x2] =	wrdreg s3  }
0xa9: {  	[dreg:$0x3] =	wrdreg s5  }
0xaa: {  	[dreg:$0x4] =	wrdreg $0xC0  }
0xab: {  	_ =	task [dreg:s7], $0x5FFFF  }
0xac: {  	[dreg:$0x1] =	wrdreg $0xFFFFFFFF  }
0xad: {  	[dreg:$0x0] =	wrdreg $0x60  }
0xae: {  	[dreg:$0x2] =	wrdreg s2  }
0xaf: {  	[dreg:$0x3] =	wrdreg s24  }
0xb0: {  	[dreg:$0x4] =	wrdreg $0x9  }
0xb1: {  	_ =	task.clear_ibuf [dreg:s7], $0x5FFFF;
	_ =	strace $0x90000046  }
0xb2: {  	s29 =	simm.s32 $0x9;
	_ =	strace $0x80000048  }
0xb3: {  	_ =	swait.ge [sflag:s29], $0x1  }
0xb4: {  	[sflag:s29] =	ssyncadd.s32 $0xFFFFFFFF  }
0xb5: {  	_ =	strace $0x90000048  }
0xb6: {  	_ =	sfence  }
0xb7: {  	s30 =	sld [smem:$0x0];
	_ =	sdelay $0x2  }
0xb8: {  	s31 =	sshll.u32 s1, $0xD;
	s1 =	sshrl.u32 s1, $0x2  }
0xb9: {  	s3 =	sand.u32 $0x4000, s31;
	s1 =	sadd.s32 s1, s30  }
0xba: {  	s0 =	sor.u32 s3, s0;
	s1 =	sshll.u32 s1, $0x11  }
0xbb: {  	s0 =	sor.u32 s1, s0  }
0xbc: {  	s0 =	sadd.s32 $0x8F2B, s0  }
0xbd: {  	[sflag:s0] =	ssyncadd.remote.s32 $0x1  }
0xbe: {  	_ =	sfence.sel $0xFFFF  }
0xbf: {  	[dreg:$0x0] =	wrdreg $0xFFFFFFFF;
	(pc) =	sbr.abs _section_cstart, $3  }
0xc0: {  	[dreg:$0x1] =	wrdreg $0xFFFFFFFF  }
0xc1: {  	_ =	task.clear_ibuf [dreg:s7], $0x2FFFF;
	_ =	strace $0x9FFFFFFF  }
0xc2: {  	(tm) =	ssettm $0x7FFFFFFF  }
0xc3: {  	_ =	shalt  }
tec
execute0_lowered:
.L_overlay_start_1:
0x0: {  	(tag) =	ssettag $0x1  }
0x1: {  	s2 =	rddreg [dreg:$0x0];
	s0 =	srdreg.scid  }
0x2: {  	s1 =	stileid.u32;
	s3 =	rddreg [dreg:$0x1]  }
0x3: {  	s4 =	simm.s32 $0x0;
	s17 =	simm.s32 $0x1A580;
	s18 =	simm.s32 $0x1AA90  }
0x4: {  	s19 =	simm.s32 $0x1AFA0;
	s28 =	simm.s32 $0x1CE20;
	s29 =	simm.s32 $0x2  }
0x5: {  	s30 =	simm.s32 $0x4;
	s0 =	sand.u32 $0x1, s0;
	s1 =	sshll.u32 s1, $0x1  }
0x6: {  	s31 =	simm.s32 $0x1D330;
	s9 =	simm.s32 $0x0;
	s1 =	sor.u32 s0, s1  }
0x7: {  	[smem:$0x7FF] =	sst s4;
	s0 =	ssub.s32 $0x2, s0;
	s5 =	smul.u32 $0xFD20, s1  }
0x8: {  	s6 =	sadd.s32 $0x3600, s3;
	_ =	strace $0x80000047;
	s20 =	sshrl.u32 s0, $0x1  }
0x9: {  	s0 =	ssub.s32 s0, s20;
	s20 =	simm.s32 $0x1B4B0;
	s21 =	sshrl.u32 s5, $0x3  }
0xa: {  	s8 =	sadd.s32 $0x510, s5;
	s14 =	sadd.s32 $0xA20, s5;
	s0 =	smax.u32 s0, $0x1  }
0xb: {  	s15 =	sadd.s32 $0xF30, s5;
	s3 =	sadd.s32 s2, s21;
	[dreg:$0x9] =	wrdreg s0  }
0xc: {  	s24 =	sshrl.u32 s8, $0x3;
	s22 =	sadd.s32 $0x3F480, s3;
	[dreg:$0x3] =	wrdreg s3  }
0xd: {  	s21 =	simm.s32 $0x1B9C0;
	s23 =	sadd.s32 $0x7E900, s3;
	[dreg:$0x4] =	wrdreg s22  }
.Ltmp0:
0xe: {  	s1 =	sadd.s32 s2, s24;
	[dreg:$0x5] =	wrdreg s23;
	(pc) =	sbr.rel .LBB2_1-.Ltmp0, $4  }
0xf: {  	s0 =	simm.s32 $0x1DD50;
	s25 =	sadd.s32 $0x3F522, s3;
	[dreg:$0x6] =	wrdreg s1  }
0x10: {  	s26 =	sadd.s32 $0x7E9A2, s3;
	s24 =	simm.s32 $0x1;
	[dreg:$0x7] =	wrdreg s25  }
0x11: {  	s3 =	simm.s32 $0x3;
	[dreg:$0x8] =	wrdreg s26;
	s22 =	simm.s32 $0x1BED0  }
0x12: {  	s25 =	simm.s32 $0x1C400;
	s26 =	simm.s32 $0x1C910;
	s1 =	simm.s32 $0x1D840  }
.LBB2_12:
0x13: {  	_ =	swait.ge [sflag:s3], $0xF30  }
0x14: {  	[sflag:s3] =	ssyncset.done $0x0  }
0x15: {  	[sflag:s3] =	ssyncadd.s32 $0xFFFFF0D0  }
0x16: {  	_ =	swait.ge [sflag:s30], $0xF30  }
0x17: {  	s9 =	sadd.s32 $0x1, s9;
	s7 =	rddreg [dreg:$0x9]  }
0x18: {  	p0 =	sne.s32 s9, s7  }
.Ltmp1:
0x19: {  	_ = 	snop;
	(pc) =	sbr.rel @!p0 .LBB2_13-.Ltmp1, $3  }
0x1a: {  	_ =	sdelay $0x1  }
0x1b: {  	[sflag:s30] =	ssyncset.done $0x0  }
0x1c: {  	[sflag:s30] =	ssyncadd.s32 $0xFFFFF0D0  }
.LBB2_1:
0x1d: {  	s7 =	rddreg [dreg:$0x1]  }
0x1e: {  	[tilespmem:s4], [sflag:$0x5] =	stream.linear.gather [hbm4b:s7+s4], $0x1A580, $0x38;
	[tilespmem:$0x1E280] =	vst v63  }
0x1f: {  	s23 =	rddreg [dreg:$0x3]  }
0x20: {  	[tilespmem:s17], [sflag:$0x1] =	stream.linear.gather [hbm4b:s23+s4], $0x510, $0x38;
	[tilespmem:$0x1E280] =	vst v63  }
0x21: {  	s10 =	rddreg [dreg:$0x4]  }
0x22: {  	[tilespmem:s18], [sflag:$0x1] =	stream.linear.gather [hbm4b:s10+s4], $0x510, $0x38;
	[tilespmem:$0x1E280] =	vst v63  }
0x23: {  	s11 =	rddreg [dreg:$0x5]  }
0x24: {  	[tilespmem:s19], [sflag:$0x1] =	stream.linear.gather [hbm4b:s11+s4], $0x510, $0x38;
	[tilespmem:$0x1E280] =	vst v63  }
0x25: {  	s12 =	rddreg [dreg:$0x6]  }
0x26: {  	[tilespmem:s20], [sflag:$0x2] =	stream.linear.gather [hbm4b:s12+s4], $0x510, $0x38;
	[tilespmem:$0x1E280] =	vst v63  }
0x27: {  	s13 =	rddreg [dreg:$0x7]  }
0x28: {  	[tilespmem:s21], [sflag:$0x2] =	stream.linear.gather [hbm4b:s13+s4], $0x510, $0x38;
	[tilespmem:$0x1E280] =	vst v63  }
0x29: {  	s16 =	rddreg [dreg:$0x8];
	s23 =	simm.s32 $0x5  }
0x2a: {  	[tilespmem:s22], [sflag:$0x2] =	stream.linear.gather [hbm4b:s16+s4], $0x510, $0x38;
	[tilespmem:$0x1E280] =	vst v63  }
0x2b: {  	_ =	swait.ge [sflag:s23], $0x1A580  }
0x2c: {  	[sflag:s23] =	ssyncset.done $0x0  }
0x2d: {  	s10 =	simm.s32 $0x0;
	[sflag:s23] =	ssyncadd.s32 $0xFFFE5A80  }
.LBB2_2:
0x2e: {  	_ =	swait.ge [sflag:s24], $0xF30  }
0x2f: {  	p0 =	seq.s32 s10, $0x0;
	[sflag:s24] =	ssyncset.done $0x0  }
0x30: {  	s7 =	simm.s32 @!p0 $0x3;
	[sflag:s24] =	ssyncadd.s32 $0xFFFFF0D0  }
0x31: {  	_ =	swait.ge @!p0 [sflag:s7], $0xF30  }
0x32: {  	[sflag:s7] =	ssyncset.done @!p0 $0x0  }
0x33: {  	s12 =	simm.s32 $0x0;
	[sflag:s7] =	ssyncadd.s32 @!p0 $0xFFFFF0D0  }
0x34: {  	v0 =	vld [tilespmem:s12+$0x1AFA0];
	_ =	sdelay $0x1  }
0x35: {  	v1 =	vld [tilespmem:s12+$0x1AA90];
	_ =	sdelay $0x2  }
0x36: {  	v2 =	vld [tilespmem:s12+$0x1A580];
	v0 =	vmul.f32 $3.200000000e+01, v0;
	_ =	sdelay $0x1  }
0x37: {  	v1 =	vmul.f32 $3.200000000e+01, v1;
	v3 =	vtrunc.f32 v0  }
0x38: {  	v3 =	vcvt.f32.s32 v3  }
0x39: {  	v4 =	vtrunc.f32 v1  }
0x3a: {  	v2 =	vmul.f32 $3.200000000e+01, v2;
	v4 =	vcvt.f32.s32 v4;
	vm0 =	vlt.s32 v3, $0x1F  }
0x3b: {  	v3 =	vnsel vm0, $0x1F, v3  }
0x3c: {  	v5 =	vtrunc.f32 v2;
	vm9 =	vlt.s32 v4, $0x1F;
	v6 =	vmul.u32 $0x21, v3  }
0x3d: {  	v5 =	vcvt.f32.s32 v5;
	v4 =	vnsel vm9, $0x1F, v4  }
0x3e: {  	v6 =	vadd.s32 v4, v6  }
0x3f: {  	vm10 =	vlt.s32 v5, $0x1F;
	v6 =	vmul.u32 $0x21, v6  }
0x40: {  	v5 =	vnsel vm10, $0x1F, v5  }
0x41: {  	v16 =	vadd.s32 v5, v6  }
0x42: {  	v4 =	vcvt.s32.f32 v4;
	v6 =	vadd.s32 $0x462, v16  }
0x43: {  	v3 =	vcvt.s32.f32 v3;
	v7 =	vadd.s32 $0x463, v16  }
0x44: {  	s13 =	simm.s32 $0x10;
	v1 =	vsub.f32 v1, v4;
	v8 =	vadd.s32 $0x441, v16  }
0x45: {  	v20 =	vld [tilespmem:s13+$0x1AA90];
	v0 =	vsub.f32 v0, v3;
	v5 =	vcvt.s32.f32 v5;
	v9 =	vadd.s32 $0x1, v16  }
0x46: {  	v10 =	vadd.s32 $0x22, v16;
	v12 =	vsub.f32 $1.000000000e+00, v1;
	v4 =	vld.idx.msk [tilespmem:v16+s4+$0x0], $0xffff  }
0x47: {  	v11 =	vadd.s32 $0x21, v16;
	v2 =	vsub.f32 v2, v5;
	v5 =	vsub.f32 $1.000000000e+00, v0;
	v3 =	vld.idx.msk [tilespmem:v6+s4+$0x0], $0xffff  }
0x48: {  	v7 =	vld.idx.msk [tilespmem:v7+s4+$0x0], $0xffff  }
0x49: {  	v13 =	vmul.f32 v0, v1;
	v19 =	vmul.f32 v5, v12;
	v6 =	vadd.s32 $0x442, v16;
	v8 =	vld.idx.msk [tilespmem:v8+s4+$0x0], $0xffff  }
0x4a: {  	v18 =	vsub.f32 $1.000000000e+00, v2;
	v5 =	vmul.f32 v5, v1;
	v1 =	vmul.f32 v0, v12;
	v9 =	vld.idx.msk [tilespmem:v9+s4+$0x0], $0xffff  }
0x4b: {  	v0 =	vmul.f32 v13, v2;
	v10 =	vld.idx.msk [tilespmem:v10+s4+$0x0], $0xffff  }
0x4c: {  	v11 =	vld.idx.msk [tilespmem:v11+s4+$0x0], $0xffff;
	v12 =	vmul.f32 v19, v18;
	v15 =	vmul.f32 v1, v18  }
0x4d: {  	v17 =	vmul.f32 v1, v2;
	v1 =	vmul.f32 v19, v2;
	v19 =	vld [tilespmem:s13+$0x1A580]  }
0x4e: {  	v14 =	vmul.f32 v5, v18;
	v13 =	vmul.f32 v13, v18;
	v6 =	vld.idx.msk [tilespmem:v6+s4+$0x0], $0xffff  }
0x4f: {  	v18 =	vld [tilespmem:s13+$0x1AFA0];
	v2 =	vmul.f32 v5, v2;
	v4 =	vmul.f32 v12, v4  }
0x50: {  	v7 =	vmul.f32 v7, v0;
	v8 =	vmul.f32 v15, v8  }
0x51: {  	v3 =	vmul.f32 v13, v3;
	v9 =	vmul.f32 v1, v9  }
0x52: {  	v5 =	vmul.f32 v14, v11;
	v11 =	vmul.f32 $3.200000000e+01, v19  }
0x53: {  	v3 =	vadd.f32 v7, v3;
	v7 =	vmul.f32 v2, v10;
	v6 =	vmul.f32 v17, v6  }
0x54: {  	v10 =	vmul.f32 $3.200000000e+01, v18;
	v4 =	vadd.f32 v9, v4;
	v9 =	vmul.f32 $3.200000000e+01, v20  }
0x55: {  	v19 =	vtrunc.f32 v11;
	v5 =	vadd.f32 v7, v5;
	v6 =	vadd.f32 v6, v8  }
0x56: {  	v7 =	vtrunc.f32 v10;
	v18 =	vtrunc.f32 v9  }
0x57: {  	v4 =	vadd.f32 v5, v4;
	v3 =	vadd.f32 v3, v6;
	v6 =	vadd.s32 $0x8C82, v16  }
0x58: {  	v7 =	vcvt.f32.s32 v7;
	v5 =	vcvt.f32.s32 v18;
	v18 =	vadd.s32 $0x90C4, v16  }
0x59: {  	v22 =	vadd.s32 $0x90C3, v16;
	v19 =	vcvt.f32.s32 v19;
	v3 =	vadd.f32 v3, v4  }
0x5a: {  	v21 =	vadd.s32 $0x8C62, v16;
	vm11 =	vlt.s32 v7, $0x1F;
	v4 =	vadd.s32 $0x8C83, v16  }
0x5b: {  	vm13 =	vlt.s32 v19, $0x1F;
	v8 =	vadd.s32 $0x8C61, v16;
	v7 =	vnsel vm11, $0x1F, v7;
	[tilespmem:s12+$0x1C400] =	vst v3  }
0x5c: {  	v19 =	vnsel vm13, $0x1F, v19;
	vm12 =	vlt.s32 v5, $0x1F;
	v20 =	vmul.u32 $0x21, v7;
	v6 =	vld.idx.msk [tilespmem:v6+s4+$0x0], $0xffff  }
0x5d: {  	v25 =	vcvt.s32.f32 v19;
	v3 =	vnsel vm12, $0x1F, v5;
	v5 =	vadd.s32 $0x90A2, v16;
	v18 =	vld.idx.msk [tilespmem:v18+s4+$0x0], $0xffff  }
0x5e: {  	v20 =	vadd.s32 v3, v20;
	v22 =	vld.idx.msk [tilespmem:v22+s4+$0x0], $0xffff  }
0x5f: {  	v24 =	vadd.s32 $0x90A3, v16;
	v11 =	vsub.f32 v11, v25;
	v20 =	vmul.u32 $0x21, v20;
	v23 =	vld.idx.msk [tilespmem:v4+s4+$0x0], $0xffff  }
0x60: {  	v37 =	vadd.s32 $0x118E4, v16;
	v8 =	vld.idx.msk [tilespmem:v8+s4+$0x0], $0xffff;
	v3 =	vcvt.s32.f32 v3  }
0x61: {  	v7 =	vcvt.s32.f32 v7;
	v33 =	vsub.f32 $1.000000000e+00, v11;
	v21 =	vld.idx.msk [tilespmem:v21+s4+$0x0], $0xffff;
	v4 =	vadd.s32 v19, v20  }
0x62: {  	v3 =	vsub.f32 v9, v3;
	v5 =	vld.idx.msk [tilespmem:v5+s4+$0x0], $0xffff;
	v26 =	vadd.s32 $0x462, v4;
	v9 =	vadd.s32 $0x463, v4  }
0x63: {  	v28 =	vadd.s32 $0x441, v4;
	v18 =	vmul.f32 v18, v0;
	v22 =	vmul.f32 v22, v13  }
0x64: {  	s16 =	simm.s32 $0x20;
	v29 =	vmul.f32 v6, v14;
	v6 =	vsub.f32 v10, v7;
	v7 =	vmul.f32 v23, v2;
	v23 =	vld.idx.msk [tilespmem:v24+s4+$0x0], $0xffff  }
0x65: {  	v19 =	vadd.s32 $0x1, v4;
	v27 =	vadd.s32 $0x22, v4;
	v18 =	vadd.f32 v18, v22;
	v22 =	vld [tilespmem:s16+$0x1AFA0]  }
0x66: {  	v10 =	vsub.f32 $1.000000000e+00, v3;
	v8 =	vmul.f32 v8, v12;
	v25 =	vsub.f32 $1.000000000e+00, v6;
	v24 =	vld.idx.msk [tilespmem:v4+s4+$0x0], $0xffff  }
0x67: {  	v20 =	vadd.s32 $0x21, v4;
	v21 =	vmul.f32 v21, v1;
	v26 =	vld.idx.msk [tilespmem:v26+s4+$0x0], $0xffff;
	v31 =	vmul.f32 v5, v15  }
0x68: {  	v30 =	vadd.s32 $0x442, v4;
	v5 =	vmul.f32 v6, v3;
	v32 =	vld.idx.msk [tilespmem:v9+s4+$0x0], $0xffff;
	v34 =	vmul.f32 v25, v10  }
0x69: {  	v38 =	vadd.s32 $0x11D24, v16;
	v25 =	vmul.f32 v25, v3;
	v28 =	vld.idx.msk [tilespmem:v28+s4+$0x0], $0xffff;
	v10 =	vmul.f32 v6, v10  }
0x6a: {  	v55 =	vadd.s32 $0x11D03, v16;
	v19 =	vld.idx.msk [tilespmem:v19+s4+$0x0], $0xffff;
	v3 =	vmul.f32 v5, v11;
	v6 =	vmul.f32 v34, v33  }
0x6b: {  	v29 =	vadd.f32 v7, v29;
	v27 =	vld.idx.msk [tilespmem:v27+s4+$0x0], $0xffff;
	v9 =	vmul.f32 v25, v33;
	v7 =	vmul.f32 v10, v33  }
0x6c: {  	v21 =	vadd.f32 v21, v8;
	v20 =	vld.idx.msk [tilespmem:v20+s4+$0x0], $0xffff;
	v10 =	vmul.f32 v10, v11;
	v5 =	vmul.f32 v5, v33  }
0x6d: {  	v50 =	vadd.s32 $0x11D25, v16;
	v30 =	vld.idx.msk [tilespmem:v30+s4+$0x0], $0xffff;
	v8 =	vmul.f32 v34, v11;
	v23 =	vmul.f32 v23, v17  }
0x6e: {  	v21 =	vadd.f32 v29, v21;
	v11 =	vmul.f32 v25, v11;
	v56 =	vmul.f32 $3.200000000e+01, v22  }
0x6f: {  	v24 =	vmul.f32 v6, v24;
	v32 =	vmul.f32 v32, v3;
	v23 =	vadd.f32 v23, v31  }
0x70: {  	v54 =	vld [tilespmem:s16+$0x1AA90];
	v25 =	vadd.s32 $0x118C2, v16;
	v28 =	vmul.f32 v7, v28;
	v26 =	vmul.f32 v5, v26  }
0x71: {  	v19 =	vmul.f32 v8, v19;
	v20 =	vmul.f32 v9, v20;
	v18 =	vadd.f32 v18, v23  }
0x72: {  	v31 =	vld [tilespmem:s16+$0x1A580];
	v29 =	vmul.f32 v10, v30;
	v27 =	vmul.f32 v11, v27;
	v26 =	vadd.f32 v32, v26  }
0x73: {  	v19 =	vadd.f32 v19, v24;
	v18 =	vadd.f32 v18, v21;
	v21 =	vadd.s32 $0x118E3, v16  }
0x74: {  	v23 =	vadd.s32 $0x11D04, v16;
	v22 =	vadd.f32 v29, v28;
	v20 =	vadd.f32 v27, v20  }
0x75: {  	v35 =	vadd.s32 $0x8C62, v4;
	v30 =	vmul.f32 $3.200000000e+01, v54;
	v27 =	vtrunc.f32 v56  }
0x76: {  	v22 =	vadd.f32 v26, v22;
	v26 =	vcvt.f32.s32 v27;
	v19 =	vadd.f32 v20, v19;
	[tilespmem:s12+$0x1C910] =	vst v18  }
0x77: {  	v36 =	vadd.s32 $0x8C61, v4;
	v27 =	vadd.s32 $0x90C4, v4;
	v31 =	vmul.f32 $3.200000000e+01, v31;
	v24 =	vld.idx.msk [tilespmem:v25+s4+$0x0], $0xffff  }
0x78: {  	v18 =	vtrunc.f32 v30;
	vm1 =	vlt.s32 v26, $0x1F;
	v19 =	vadd.f32 v22, v19;
	v20 =	vld.idx.msk [tilespmem:v21+s4+$0x0], $0xffff  }
0x79: {  	v22 =	vadd.s32 $0x8C83, v4;
	v25 =	vtrunc.f32 v31;
	v23 =	vld.idx.msk [tilespmem:v23+s4+$0x0], $0xffff;
	v18 =	vcvt.f32.s32 v18  }
0x7a: {  	v28 =	vld.idx.msk [tilespmem:v55+s4+$0x0], $0xffff;
	v26 =	vnsel vm1, $0x1F, v26;
	v25 =	vcvt.f32.s32 v25;
	v21 =	vadd.s32 $0x8C82, v4  }
0x7b: {  	v29 =	vld.idx.msk [tilespmem:v38+s4+$0x0], $0xffff;
	v57 =	vmul.u32 $0x21, v26;
	[tilespmem:s13+$0x1C400] =	vst v19;
	v19 =	vcvt.s32.f32 v26;
	vm15 =	vlt.s32 v18, $0x1F  }
0x7c: {  	v26 =	vld.idx.msk [tilespmem:v36+s4+$0x0], $0xffff;
	vm14 =	vlt.s32 v25, $0x1F;
	v18 =	vnsel vm15, $0x1F, v18;
	v12 =	vmul.f32 v24, v12  }
0x7d: {  	v35 =	vld.idx.msk [tilespmem:v35+s4+$0x0], $0xffff;
	v24 =	vadd.s32 $0x90A2, v4;
	v14 =	vmul.f32 v20, v14;
	v20 =	vadd.s32 v18, v57  }
0x7e: {  	v25 =	vnsel vm14, $0x1F, v25;
	v17 =	vmul.f32 v23, v17;
	v23 =	vld.idx.msk [tilespmem:v22+s4+$0x0], $0xffff;
	v20 =	vmul.u32 $0x21, v20  }
0x7f: {  	v58 =	vmul.f32 v28, v15;
	v59 =	vcvt.s32.f32 v25;
	v28 =	vadd.s32 $0x90C3, v4;
	v21 =	vld.idx.msk [tilespmem:v21+s4+$0x0], $0xffff  }
0x80: {  	v27 =	vld.idx.msk [tilespmem:v27+s4+$0x0], $0xffff;
	v15 =	vmul.f32 v29, v13;
	v13 =	vadd.s32 v25, v20;
	v20 =	vadd.s32 $0x90A3, v4  }
0x81: {  	v32 =	vadd.s32 $0x118C3, v16;
	v19 =	vsub.f32 v56, v19;
	v18 =	vcvt.s32.f32 v18  }
0x82: {  	v45 =	vmul.f32 v26, v6;
	v33 =	vsub.f32 v31, v59;
	v61 =	vld.idx.msk [tilespmem:v24+s4+$0x0], $0xffff;
	v42 =	vadd.s32 $0x462, v13  }
0x83: {  	v31 =	vmul.f32 v35, v8;
	v18 =	vsub.f32 v30, v18;
	v25 =	vld.idx.msk [tilespmem:v37+s4+$0x0], $0xffff;
	v43 =	vadd.s32 $0x463, v13  }
0x84: {  	v28 =	vld.idx.msk [tilespmem:v28+s4+$0x0], $0xffff;
	v23 =	vmul.f32 v23, v11;
	v41 =	vadd.s32 $0x441, v13;
	v21 =	vmul.f32 v21, v9  }
0x85: {  	v30 =	vmul.f32 v27, v3;
	v60 =	vadd.s32 $0x1, v13;
	v40 =	vadd.s32 $0x22, v13;
	v20 =	vld.idx.msk [tilespmem:v20+s4+$0x0], $0xffff  }
0x86: {  	v62 =	vsub.f32 $1.000000000e+00, v18;
	v48 =	vmul.f32 v19, v18;
	v29 =	vadd.f32 v23, v21;
	v46 =	vld.idx.msk [tilespmem:v13+s4+$0x0], $0xffff  }
0x87: {  	v39 =	vadd.s32 $0x21, v13;
	v23 =	vadd.f32 v17, v58;
	v17 =	vsub.f32 $1.000000000e+00, v19;
	v34 =	vld.idx.msk [tilespmem:v42+s4+$0x0], $0xffff  }
0x88: {  	v51 =	vsub.f32 $1.000000000e+00, v33;
	v27 =	vadd.s32 $0x11D24, v4;
	v26 =	vmul.f32 v48, v33;
	v49 =	vld.idx.msk [tilespmem:v43+s4+$0x0], $0xffff  }
0x89: {  	v44 =	vadd.s32 $0x442, v13;
	v38 =	vmul.f32 v17, v62;
	v35 =	vmul.f32 v17, v18;
	v41 =	vld.idx.msk [tilespmem:v41+s4+$0x0], $0xffff  }
0x8a: {  	v22 =	vadd.s32 $0x8C62, v13;
	v47 =	vmul.f32 v61, v7;
	v18 =	vmul.f32 v19, v62;
	v37 =	vld.idx.msk [tilespmem:v60+s4+$0x0], $0xffff  }
0x8b: {  	v24 =	vadd.s32 $0x8C61, v13;
	v36 =	vld.idx.msk [tilespmem:v40+s4+$0x0], $0xffff;
	v21 =	vmul.f32 v38, v51;
	v16 =	vmul.f32 v35, v51  }
0x8c: {  	v19 =	vadd.s32 $0x118E4, v4;
	v43 =	vld.idx.msk [tilespmem:v39+s4+$0x0], $0xffff;
	v17 =	vmul.f32 v18, v51;
	v63 =	vmul.f32 v20, v10  }
0x8d: {  	v40 =	vadd.f32 v31, v45;
	v31 =	vld.idx.msk [tilespmem:v50+s4+$0x0], $0xffff;
	v18 =	vmul.f32 v18, v33;
	v42 =	vmul.f32 v21, v46  }
0x8e: {  	s11 =	simm.s32 $0xC0;
	v44 =	vld.idx.msk [tilespmem:v44+s4+$0x0], $0xffff;
	v20 =	vmul.f32 v48, v51;
	v45 =	vmul.f32 v49, v26;
	v39 =	vadd.f32 v63, v47  }
.LBB2_3:
0x8f: {  	s7 =	sshra.s32 s11, $0x2;
	p1 =	sne.s32 s11, $0x1400;
	s11 =	sadd.s32 $0x40, s11;
	v41 =	vmul.f32 v17, v41;
	v28 =	vmul.f32 v28, v5;
	v46 =	vadd.s32 $0x11D03, v4  }
0x90: {  	v38 =	vmul.f32 v38, v33;
	v29 =	vadd.f32 v29, v40;
	v40 =	vadd.s32 $0x11D04, v4;
	v47 =	vld [tilespmem:s7+$0x1AA90]  }
0x91: {  	v25 =	vmul.f32 v25, v2;
	v2 =	vmovc v11;
	v34 =	vmul.f32 v20, v34;
	v48 =	vld [tilespmem:s7+$0x1A580];
	v28 =	vadd.f32 v30, v28  }
0x92: {  	v30 =	vmul.f32 v38, v37;
	v37 =	vmul.f32 v16, v43;
	v43 =	vadd.s32 $0x118C2, v4  }
0x93: {  	v11 =	vmul.f32 v35, v33;
	v33 =	vadd.f32 v45, v34;
	v49 =	vld [tilespmem:s7+$0x1AFA0];
	v28 =	vadd.f32 v28, v39  }
0x94: {  	v31 =	vmul.f32 v31, v0;
	v30 =	vadd.f32 v30, v42;
	v34 =	vmul.f32 v18, v44;
	v32 =	vld.idx.msk [tilespmem:v32+s4+$0x0], $0xffff  }
0x95: {  	v35 =	vmul.f32 v11, v36;
	v0 =	vmovc v3;
	v3 =	vmovc v26;
	v28 =	vadd.f32 v28, v29;
	v29 =	vadd.s32 $0x118E3, v4  }
0x96: {  	v25 =	vadd.f32 v25, v14;
	v14 =	vadd.f32 v31, v15;
	v26 =	vmul.f32 $3.200000000e+01, v47  }
0x97: {  	v15 =	vadd.f32 v35, v37;
	v34 =	vadd.f32 v34, v41;
	v31 =	vmul.f32 $3.200000000e+01, v48;
	[tilespmem:s13+$0x1C910] =	vst v28  }
0x98: {  	v23 =	vadd.f32 v14, v23;
	v28 =	vtrunc.f32 v26;
	v35 =	vmul.f32 $3.200000000e+01, v49;
	v36 =	vld.idx.msk [tilespmem:v43+s4+$0x0], $0xffff  }
0x99: {  	v33 =	vadd.f32 v33, v34;
	v34 =	vadd.s32 $0x90C4, v13;
	v14 =	vtrunc.f32 v31;
	v37 =	vld.idx.msk [tilespmem:v40+s4+$0x0], $0xffff  }
0x9a: {  	v15 =	vadd.f32 v15, v30;
	v14 =	vcvt.f32.s32 v14;
	v39 =	vtrunc.f32 v35;
	v29 =	vld.idx.msk [tilespmem:v29+s4+$0x0], $0xffff  }
0x9b: {  	v28 =	vcvt.f32.s32 v28;
	v30 =	vcvt.f32.s32 v39;
	v39 =	vadd.s32 $0x8C82, v13;
	v40 =	vld.idx.msk [tilespmem:v46+s4+$0x0], $0xffff  }
0x9c: {  	v15 =	vadd.f32 v33, v15;
	v33 =	vadd.s32 $0x8C83, v13;
	vm0 =	vlt.s32 v14, $0x1F  }
0x9d: {  	v41 =	vnsel vm0, $0x1F, v14;
	vm0 =	vlt.s32 v28, $0x1F;
	vm1 =	vlt.s32 v30, $0x1F;
	v27 =	vld.idx.msk [tilespmem:v27+s4+$0x0], $0xffff  }
0x9e: {  	v14 =	vnsel vm1, $0x1F, v30;
	[tilespmem:s16+$0x1C400] =	vst v15;
	v15 =	vmul.f32 v36, v6;
	v30 =	vmul.f32 v32, v1;
	v1 =	vmovc v8  }
0x9f: {  	v28 =	vnsel vm0, $0x1F, v28;
	v8 =	vmovc v38;
	v6 =	vmovc v21;
	v32 =	vcvt.s32.f32 v14;
	v36 =	vmul.u32 $0x21, v14;
	v42 =	vld.idx.msk [tilespmem:v24+s4+$0x0], $0xffff  }
0xa0: {  	v14 =	vmul.f32 v29, v9;
	v21 =	vld.idx.msk [tilespmem:v22+s4+$0x0], $0xffff;
	v22 =	vadd.s32 $0x90A2, v13;
	v38 =	vadd.f32 v30, v12;
	v12 =	vmovc v15  }
0xa1: {  	v37 =	vmul.f32 v37, v10;
	v15 =	vadd.s32 v28, v36;
	v29 =	vld.idx.msk [tilespmem:v39+s4+$0x0], $0xffff;
	v36 =	vmul.f32 v40, v7  }
0xa2: {  	v24 =	vcvt.s32.f32 v28;
	v9 =	vmovc v16;
	v7 =	vmovc v17;
	v28 =	vmul.u32 $0x21, v15;
	v30 =	vld.idx.msk [tilespmem:v33+s4+$0x0], $0xffff;
	v25 =	vadd.f32 v25, v38  }
0xa3: {  	v10 =	vmovc v18;
	v16 =	vcvt.s32.f32 v41;
	v17 =	vadd.s32 $0x90C3, v13;
	v15 =	vmul.f32 v27, v5;
	v5 =	vmovc v20  }
0xa4: {  	v20 =	vadd.s32 $0x90A3, v13;
	v18 =	vadd.s32 v41, v28;
	v27 =	vld.idx.msk [tilespmem:v34+s4+$0x0], $0xffff;
	v23 =	vadd.f32 v23, v25  }
0xa5: {  	v39 =	vadd.s32 $0x1, v18;
	v40 =	vadd.s32 $0x21, v18;
	v43 =	vadd.s32 $0x22, v18;
	v38 =	vld.idx.msk [tilespmem:v22+s4+$0x0], $0xffff  }
0xa6: {  	v41 =	vadd.s32 $0x441, v18;
	v44 =	vadd.s32 $0x442, v18;
	v34 =	vadd.s32 $0x462, v18;
	[tilespmem:s12+$0x1CE20] =	vst v23;
	s12 =	smov.u32 s13;
	s13 =	smov.u32 s16;
	s16 =	smov.u32 s7  }
0xa7: {  	v26 =	vsub.f32 v26, v24;
	v45 =	vadd.s32 $0x463, v18;
	v22 =	vadd.s32 $0x8C62, v18;
	v25 =	vld.idx.msk [tilespmem:v19+s4+$0x0], $0xffff  }
0xa8: {  	v24 =	vadd.s32 $0x8C61, v18;
	v19 =	vmul.f32 v30, v11;
	v28 =	vld.idx.msk [tilespmem:v17+s4+$0x0], $0xffff;
	v17 =	vmul.f32 v29, v9  }
0xa9: {  	v32 =	vsub.f32 v35, v32;
	v46 =	vsub.f32 $1.000000000e+00, v26;
	v47 =	vmul.f32 v42, v6;
	v20 =	vld.idx.msk [tilespmem:v20+s4+$0x0], $0xffff  }
0xaa: {  	v23 =	vadd.f32 v37, v36;
	v30 =	vmul.f32 v27, v3;
	v42 =	vld.idx.msk [tilespmem:v18+s4+$0x0], $0xffff;
	v29 =	vadd.f32 v19, v17  }
0xab: {  	v33 =	vsub.f32 v31, v16;
	v16 =	vsub.f32 $1.000000000e+00, v32;
	v48 =	vmul.f32 v38, v7;
	v34 =	vld.idx.msk [tilespmem:v34+s4+$0x0], $0xffff  }
0xac: {  	v50 =	vadd.s32 $0x11D25, v4;
	v49 =	vmul.f32 v32, v26;
	v31 =	vmul.f32 v21, v8;
	v45 =	vld.idx.msk [tilespmem:v45+s4+$0x0], $0xffff  }
0xad: {  	v51 =	vsub.f32 $1.000000000e+00, v33;
	v35 =	vmul.f32 v16, v26;
	v38 =	vmul.f32 v16, v46;
	v41 =	vld.idx.msk [tilespmem:v41+s4+$0x0], $0xffff  }
.Ltmp2:
0xae: {  	v26 =	vmul.f32 v49, v33;
	v46 =	vmul.f32 v32, v46;
	v32 =	vadd.s32 $0x118C3, v4;
	v4 =	vmovc v13;
	v37 =	vld.idx.msk [tilespmem:v39+s4+$0x0], $0xffff;
	(pc) =	sbr.rel @p1 .LBB2_3-.Ltmp2, $4  }
0xaf: {  	v16 =	vmul.f32 v35, v51;
	v13 =	vmovc v18;
	v19 =	vadd.s32 $0x118E4, v4;
	v21 =	vmul.f32 v38, v51;
	v36 =	vld.idx.msk [tilespmem:v43+s4+$0x0], $0xffff  }
0xb0: {  	v27 =	vadd.s32 $0x11D24, v4;
	v17 =	vmul.f32 v46, v51;
	v39 =	vmul.f32 v20, v10;
	v43 =	vld.idx.msk [tilespmem:v40+s4+$0x0], $0xffff  }
0xb1: {  	v18 =	vmul.f32 v46, v33;
	v42 =	vmul.f32 v21, v42;
	v40 =	vadd.f32 v31, v47;
	v31 =	vld.idx.msk [tilespmem:v50+s4+$0x0], $0xffff  }
0xb2: {  	v20 =	vmul.f32 v49, v51;
	v39 =	vadd.f32 v39, v48;
	v45 =	vmul.f32 v45, v26;
	v44 =	vld.idx.msk [tilespmem:v44+s4+$0x0], $0xffff  }
0xb3: {  	_ = 	snop  }
0xb4: {  	v41 =	vmul.f32 v17, v41;
	v38 =	vmul.f32 v38, v33  }
0xb5: {  	v33 =	vmul.f32 v35, v33;
	v34 =	vmul.f32 v20, v34  }
0xb6: {  	v54 =	vmul.f32 v38, v37;
	v55 =	vmul.f32 v16, v43  }
0xb7: {  	v36 =	vmul.f32 v33, v36;
	v56 =	vmul.f32 v18, v44  }
0xb8: {  	v34 =	vadd.f32 v45, v34;
	v35 =	vadd.f32 v54, v42  }
0xb9: {  	v36 =	vadd.f32 v36, v55;
	v57 =	vadd.f32 v56, v41;
	_ =	sdelay $0x1  }
0xba: {  	v35 =	vadd.f32 v36, v35;
	v34 =	vadd.f32 v34, v57;
	_ =	sdelay $0x1  }
0xbb: {  	v58 =	vadd.s32 $0x8C82, v13;
	v34 =	vadd.f32 v34, v35  }
0xbc: {  	v59 =	vadd.s32 $0x8C83, v13  }
0xbd: {  	v60 =	vadd.s32 $0x90C4, v13;
	[tilespmem:s16+$0x1C400] =	vst v34  }
0xbe: {  	v61 =	vadd.s32 $0x90A2, v13;
	v24 =	vld.idx.msk [tilespmem:v24+s4+$0x0], $0xffff  }
0xbf: {  	v62 =	vadd.s32 $0x90C3, v13;
	v22 =	vld.idx.msk [tilespmem:v22+s4+$0x0], $0xffff  }
0xc0: {  	v63 =	vadd.s32 $0x90A3, v13;
	v36 =	vld.idx.msk [tilespmem:v58+s4+$0x0], $0xffff  }
0xc1: {  	v35 =	vld.idx.msk [tilespmem:v59+s4+$0x0], $0xffff  }
0xc2: {  	v28 =	vmul.f32 v28, v5;
	v37 =	vld.idx.msk [tilespmem:v60+s4+$0x0], $0xffff  }
0xc3: {  	v45 =	vld.idx.msk [tilespmem:v61+s4+$0x0], $0xffff  }
0xc4: {  	v28 =	vadd.f32 v30, v28;
	v46 =	vld.idx.msk [tilespmem:v62+s4+$0x0], $0xffff  }
0xc5: {  	v47 =	vld.idx.msk [tilespmem:v63+s4+$0x0], $0xffff  }
0xc6: {  	v29 =	vadd.f32 v29, v40;
	v49 =	vadd.s32 $0x118C2, v4;
	v28 =	vadd.f32 v28, v39  }
0xc7: {  	v48 =	vadd.s32 $0x11D04, v4;
	v50 =	vmul.f32 v36, v16;
	v35 =	vmul.f32 v35, v33  }
0xc8: {  	v28 =	vadd.f32 v28, v29;
	v24 =	vmul.f32 v24, v21;
	v37 =	vmul.f32 v37, v26  }
0xc9: {  	v30 =	vmul.f32 v45, v17;
	v22 =	vmul.f32 v22, v38  }
0xca: {  	v51 =	vadd.s32 $0x118E3, v4;
	v32 =	vld.idx.msk [tilespmem:v32+s4+$0x0], $0xffff;
	[tilespmem:s13+$0x1C910] =	vst v28;
	v53 =	vmul.f32 v47, v18;
	v34 =	vmul.f32 v46, v20  }
0xcb: {  	v52 =	vadd.s32 $0x11D03, v4;
	v54 =	vld.idx.msk [tilespmem:v49+s4+$0x0], $0xffff;
	v29 =	vadd.f32 v35, v50;
	v22 =	vadd.f32 v22, v24  }
0xcc: {  	v55 =	vld.idx.msk [tilespmem:v48+s4+$0x0], $0xffff;
	v59 =	vadd.s32 $0x118C3, v4;
	v28 =	vadd.f32 v53, v30;
	v57 =	vadd.f32 v37, v34  }
0xcd: {  	v56 =	vadd.s32 $0x11D25, v4;
	v27 =	vld.idx.msk [tilespmem:v27+s4+$0x0], $0xffff  }
0xce: {  	v19 =	vld.idx.msk [tilespmem:v19+s4+$0x0], $0xffff;
	v61 =	vadd.s32 $0x118C2, v13;
	v22 =	vadd.f32 v29, v22;
	v28 =	vadd.f32 v57, v28  }
0xcf: {  	v58 =	vld.idx.msk [tilespmem:v51+s4+$0x0], $0xffff;
	v62 =	vadd.s32 $0x11D04, v13  }
0xd0: {  	v60 =	vld.idx.msk [tilespmem:v52+s4+$0x0], $0xffff;
	v63 =	vadd.s32 $0x118E3, v13;
	v22 =	vadd.f32 v28, v22  }
0xd1: {  	v44 =	vadd.s32 $0x11D03, v13;
	v4 =	vld.idx.msk [tilespmem:v59+s4+$0x0], $0xffff  }
0xd2: {  	v45 =	vadd.s32 $0x11D24, v13;
	v35 =	vld.idx.msk [tilespmem:v56+s4+$0x0], $0xffff;
	[tilespmem:s16+$0x1C910] =	vst v22  }
0xd3: {  	v46 =	vadd.s32 $0x118E4, v13;
	v29 =	vld.idx.msk [tilespmem:v61+s4+$0x0], $0xffff  }
0xd4: {  	v0 =	vmul.f32 v31, v0;
	v47 =	vadd.s32 $0x11D25, v13;
	v30 =	vld.idx.msk [tilespmem:v62+s4+$0x0], $0xffff  }
0xd5: {  	v2 =	vmul.f32 v25, v2;
	v1 =	vmul.f32 v32, v1;
	v49 =	vadd.s32 $0x118C3, v13;
	v48 =	vld.idx.msk [tilespmem:v63+s4+$0x0], $0xffff  }
0xd6: {  	v0 =	vadd.f32 v0, v15;
	v50 =	vld.idx.msk [tilespmem:v44+s4+$0x0], $0xffff  }
0xd7: {  	v2 =	vadd.f32 v2, v14;
	v1 =	vadd.f32 v1, v12;
	v51 =	vld.idx.msk [tilespmem:v45+s4+$0x0], $0xffff  }
0xd8: {  	v0 =	vadd.f32 v0, v23;
	v6 =	vmul.f32 v54, v6;
	v10 =	vmul.f32 v55, v10;
	v52 =	vld.idx.msk [tilespmem:v46+s4+$0x0], $0xffff  }
0xd9: {  	v1 =	vadd.f32 v2, v1;
	v54 =	vmul.f32 v27, v5;
	v11 =	vmul.f32 v19, v11;
	v53 =	vld.idx.msk [tilespmem:v47+s4+$0x0], $0xffff  }
0xda: {  	v9 =	vmul.f32 v58, v9;
	v7 =	vmul.f32 v60, v7;
	v13 =	vld.idx.msk [tilespmem:v49+s4+$0x0], $0xffff  }
0xdb: {  	v0 =	vadd.f32 v0, v1;
	v4 =	vmul.f32 v4, v8;
	v55 =	vmul.f32 v35, v3  }
0xdc: {  	v7 =	vadd.f32 v10, v7;
	v56 =	vmul.f32 v29, v21;
	v57 =	vmul.f32 v48, v16  }
0xdd: {  	v9 =	vadd.f32 v11, v9;
	v58 =	vmul.f32 v50, v17;
	v59 =	vmul.f32 v30, v18  }
0xde: {  	v4 =	vadd.f32 v4, v6;
	v60 =	vmul.f32 v51, v20;
	v61 =	vmul.f32 v52, v33  }
0xdf: {  	v1 =	vadd.f32 v55, v54;
	v2 =	vmul.f32 v53, v26;
	v62 =	vmul.f32 v13, v38  }
0xe0: {  	v10 =	vadd.f32 v59, v58;
	v8 =	vadd.f32 v61, v57  }
0xe1: {  	v2 =	vadd.f32 v2, v60;
	v3 =	vadd.f32 v62, v56  }
0xe2: {  	v4 =	vadd.f32 v9, v4;
	v1 =	vadd.f32 v1, v7  }
0xe3: {  	s11 =	smul.u32 $0xA20, s10;
	v2 =	vadd.f32 v2, v10;
	v3 =	vadd.f32 v8, v3  }
0xe4: {  	v1 =	vadd.f32 v1, v4  }
0xe5: {  	s7 =	sadd.s32 s5, s11;
	[tilespmem:s12+$0x1CE20] =	vst v0;
	v63 =	vadd.f32 v2, v3  }
0xe6: {  	s7 =	sshrl.u32 s7, $0x3;
	[tilespmem:s13+$0x1CE20] =	vst v1  }
0xe7: {  	p1 =	sne.s32 s10, $0x18;
	s7 =	sadd.s32 s6, s7;
	[tilespmem:s16+$0x1CE20] =	vst v63  }
0xe8: {  	[hbm4b:s7+s4] =	stream.linear.scatter [tilespmem:s25], [sflag:$0x3], $0x510, $0x38;
	[tilespmem:$0x1E280] =	vst v63  }
.Ltmp3:
0xe9: {  	_ = 	snop;
	(pc) =	sbr.rel @p1 .LBB2_6-.Ltmp3, $4  }
0xea: {  	s23 =	sadd.s32 $0x3F480, s7  }
0xeb: {  	[hbm4b:s23+s4] =	stream.linear.scatter [tilespmem:s26], [sflag:$0x3], $0x510, $0x38;
	[tilespmem:$0x1E280] =	vst v63  }
0xec: {  	s7 =	sadd.s32 $0x7E900, s7  }
0xed: {  	[hbm4b:s7+s4] =	stream.linear.scatter [tilespmem:s28], [sflag:$0x3], $0x510, $0x38;
	[tilespmem:$0x1E280] =	vst v63  }
.Ltmp4:
0xee: {  	(pc) =	sbr.rel .LBB2_7-.Ltmp4, $4  }
0xef: {  	_ = 	snop  }
0xf0: {  	_ =	swait.ge [sflag:s29], $0xF30  }
0xf1: {  	[sflag:s29] =	ssyncset.done $0x0  }
0xf2: {  	[sflag:s29] =	ssyncadd.s32 $0xFFFFF0D0  }
.LBB2_6:
0xf3: {  	s7 =	sadd.s32 s11, s14  }
0xf4: {  	s7 =	sshrl.u32 s7, $0x3  }
0xf5: {  	s7 =	sadd.s32 s2, s7  }
0xf6: {  	[tilespmem:s17], [sflag:$0x1] =	stream.linear.gather [hbm4b:s7+s4], $0x510, $0x38;
	[tilespmem:$0x1E280] =	vst v63  }
0xf7: {  	s12 =	sadd.s32 $0x3F480, s7  }
0xf8: {  	[tilespmem:s18], [sflag:$0x1] =	stream.linear.gather [hbm4b:s12+s4], $0x510, $0x38;
	[tilespmem:$0x1E280] =	vst v63  }
.Ltmp5:
0xf9: {  	s7 =	sadd.s32 $0x7E900, s7;
	(pc) =	sbr.rel @p0 .LBB2_8-.Ltmp5, $4  }
0xfa: {  	[tilespmem:s19], [sflag:$0x1] =	stream.linear.gather [hbm4b:s7+s4], $0x510, $0x38;
	[tilespmem:$0x1E280] =	vst v63  }
0xfb: {  	_ =	swait.ge [sflag:s29], $0xF30  }
0xfc: {  	[sflag:s29] =	ssyncset.done $0x0  }
0xfd: {  	[sflag:s29] =	ssyncadd.s32 $0xFFFFF0D0  }
.LBB2_7:
0xfe: {  	_ =	swait.ge [sflag:s30], $0xF30  }
0xff: {  	[sflag:s30] =	ssyncset.done $0x0  }
0x100: {  	[sflag:s30] =	ssyncadd.s32 $0xFFFFF0D0  }
.LBB2_8:
0x101: {  	s12 =	simm.s32 $0x0  }
0x102: {  	v0 =	vld [tilespmem:s12+$0x1BED0];
	_ =	sdelay $0x1  }
0x103: {  	v1 =	vld [tilespmem:s12+$0x1B9C0];
	_ =	sdelay $0x2  }
0x104: {  	v2 =	vld [tilespmem:s12+$0x1B4B0];
	v0 =	vmul.f32 $3.200000000e+01, v0;
	_ =	sdelay $0x1  }
0x105: {  	v1 =	vmul.f32 $3.200000000e+01, v1;
	v3 =	vtrunc.f32 v0  }
0x106: {  	v3 =	vcvt.f32.s32 v3  }
0x107: {  	v4 =	vtrunc.f32 v1  }
0x108: {  	v2 =	vmul.f32 $3.200000000e+01, v2;
	v4 =	vcvt.f32.s32 v4;
	vm0 =	vlt.s32 v3, $0x1F  }
0x109: {  	v3 =	vnsel vm0, $0x1F, v3  }
0x10a: {  	v5 =	vtrunc.f32 v2;
	vm9 =	vlt.s32 v4, $0x1F;
	v6 =	vmul.u32 $0x21, v3  }
0x10b: {  	v5 =	vcvt.f32.s32 v5;
	v4 =	vnsel vm9, $0x1F, v4  }
0x10c: {  	v6 =	vadd.s32 v4, v6  }
0x10d: {  	vm10 =	vlt.s32 v5, $0x1F;
	v6 =	vmul.u32 $0x21, v6  }
0x10e: {  	v5 =	vnsel vm10, $0x1F, v5  }
0x10f: {  	v16 =	vadd.s32 v5, v6  }
0x110: {  	v4 =	vcvt.s32.f32 v4;
	v6 =	vadd.s32 $0x462, v16  }
0x111: {  	v3 =	vcvt.s32.f32 v3;
	v7 =	vadd.s32 $0x463, v16  }
0x112: {  	s13 =	simm.s32 $0x10;
	v1 =	vsub.f32 v1, v4;
	v8 =	vadd.s32 $0x441, v16  }
0x113: {  	v20 =	vld [tilespmem:s13+$0x1B9C0];
	v0 =	vsub.f32 v0, v3;
	v5 =	vcvt.s32.f32 v5;
	v9 =	vadd.s32 $0x1, v16  }
0x114: {  	v10 =	vadd.s32 $0x22, v16;
	v12 =	vsub.f32 $1.000000000e+00, v1;
	v4 =	vld.idx.msk [tilespmem:v16+s4+$0x0], $0xffff  }
0x115: {  	v11 =	vadd.s32 $0x21, v16;
	v2 =	vsub.f32 v2, v5;
	v5 =	vsub.f32 $1.000000000e+00, v0;
	v3 =	vld.idx.msk [tilespmem:v6+s4+$0x0], $0xffff  }
0x116: {  	v7 =	vld.idx.msk [tilespmem:v7+s4+$0x0], $0xffff  }
0x117: {  	v13 =	vmul.f32 v0, v1;
	v19 =	vmul.f32 v5, v12;
	v6 =	vadd.s32 $0x442, v16;
	v8 =	vld.idx.msk [tilespmem:v8+s4+$0x0], $0xffff  }
0x118: {  	v18 =	vsub.f32 $1.000000000e+00, v2;
	v5 =	vmul.f32 v5, v1;
	v1 =	vmul.f32 v0, v12;
	v9 =	vld.idx.msk [tilespmem:v9+s4+$0x0], $0xffff  }
0x119: {  	v0 =	vmul.f32 v13, v2;
	v10 =	vld.idx.msk [tilespmem:v10+s4+$0x0], $0xffff  }
0x11a: {  	v11 =	vld.idx.msk [tilespmem:v11+s4+$0x0], $0xffff;
	v12 =	vmul.f32 v19, v18;
	v15 =	vmul.f32 v1, v18  }
0x11b: {  	v17 =	vmul.f32 v1, v2;
	v1 =	vmul.f32 v19, v2;
	v19 =	vld [tilespmem:s13+$0x1B4B0]  }
0x11c: {  	v14 =	vmul.f32 v5, v18;
	v13 =	vmul.f32 v13, v18;
	v6 =	vld.idx.msk [tilespmem:v6+s4+$0x0], $0xffff  }
0x11d: {  	v18 =	vld [tilespmem:s13+$0x1BED0];
	v2 =	vmul.f32 v5, v2;
	v4 =	vmul.f32 v12, v4  }
0x11e: {  	v7 =	vmul.f32 v7, v0;
	v8 =	vmul.f32 v15, v8  }
0x11f: {  	v3 =	vmul.f32 v13, v3;
	v9 =	vmul.f32 v1, v9  }
0x120: {  	v5 =	vmul.f32 v14, v11;
	v11 =	vmul.f32 $3.200000000e+01, v19  }
0x121: {  	v3 =	vadd.f32 v7, v3;
	v7 =	vmul.f32 v2, v10;
	v6 =	vmul.f32 v17, v6  }
0x122: {  	v10 =	vmul.f32 $3.200000000e+01, v18;
	v4 =	vadd.f32 v9, v4;
	v9 =	vmul.f32 $3.200000000e+01, v20  }
0x123: {  	v19 =	vtrunc.f32 v11;
	v5 =	vadd.f32 v7, v5;
	v6 =	vadd.f32 v6, v8  }
0x124: {  	v7 =	vtrunc.f32 v10;
	v18 =	vtrunc.f32 v9  }
0x125: {  	v4 =	vadd.f32 v5, v4;
	v3 =	vadd.f32 v3, v6;
	v6 =	vadd.s32 $0x8C82, v16  }
0x126: {  	v7 =	vcvt.f32.s32 v7;
	v5 =	vcvt.f32.s32 v18;
	v18 =	vadd.s32 $0x90C4, v16  }
0x127: {  	v22 =	vadd.s32 $0x90C3, v16;
	v19 =	vcvt.f32.s32 v19;
	v3 =	vadd.f32 v3, v4  }
0x128: {  	v21 =	vadd.s32 $0x8C62, v16;
	vm11 =	vlt.s32 v7, $0x1F;
	v4 =	vadd.s32 $0x8C83, v16  }
0x129: {  	vm13 =	vlt.s32 v19, $0x1F;
	v8 =	vadd.s32 $0x8C61, v16;
	v7 =	vnsel vm11, $0x1F, v7;
	[tilespmem:s12+$0x1D330] =	vst v3  }
0x12a: {  	v19 =	vnsel vm13, $0x1F, v19;
	vm12 =	vlt.s32 v5, $0x1F;
	v20 =	vmul.u32 $0x21, v7;
	v6 =	vld.idx.msk [tilespmem:v6+s4+$0x0], $0xffff  }
0x12b: {  	v25 =	vcvt.s32.f32 v19;
	v3 =	vnsel vm12, $0x1F, v5;
	v5 =	vadd.s32 $0x90A2, v16;
	v18 =	vld.idx.msk [tilespmem:v18+s4+$0x0], $0xffff  }
0x12c: {  	v20 =	vadd.s32 v3, v20;
	v22 =	vld.idx.msk [tilespmem:v22+s4+$0x0], $0xffff  }
0x12d: {  	v24 =	vadd.s32 $0x90A3, v16;
	v11 =	vsub.f32 v11, v25;
	v20 =	vmul.u32 $0x21, v20;
	v23 =	vld.idx.msk [tilespmem:v4+s4+$0x0], $0xffff  }
0x12e: {  	v37 =	vadd.s32 $0x118E4, v16;
	v8 =	vld.idx.msk [tilespmem:v8+s4+$0x0], $0xffff;
	v3 =	vcvt.s32.f32 v3  }
0x12f: {  	v7 =	vcvt.s32.f32 v7;
	v33 =	vsub.f32 $1.000000000e+00, v11;
	v21 =	vld.idx.msk [tilespmem:v21+s4+$0x0], $0xffff;
	v4 =	vadd.s32 v19, v20  }
0x130: {  	v3 =	vsub.f32 v9, v3;
	v5 =	vld.idx.msk [tilespmem:v5+s4+$0x0], $0xffff;
	v26 =	vadd.s32 $0x462, v4;
	v9 =	vadd.s32 $0x463, v4  }
0x131: {  	v28 =	vadd.s32 $0x441, v4;
	v18 =	vmul.f32 v18, v0;
	v22 =	vmul.f32 v22, v13  }
0x132: {  	s16 =	simm.s32 $0x20;
	v29 =	vmul.f32 v6, v14;
	v6 =	vsub.f32 v10, v7;
	v7 =	vmul.f32 v23, v2;
	v23 =	vld.idx.msk [tilespmem:v24+s4+$0x0], $0xffff  }
0x133: {  	v19 =	vadd.s32 $0x1, v4;
	v27 =	vadd.s32 $0x22, v4;
	v18 =	vadd.f32 v18, v22;
	v22 =	vld [tilespmem:s16+$0x1BED0]  }
0x134: {  	v10 =	vsub.f32 $1.000000000e+00, v3;
	v8 =	vmul.f32 v8, v12;
	v25 =	vsub.f32 $1.000000000e+00, v6;
	v24 =	vld.idx.msk [tilespmem:v4+s4+$0x0], $0xffff  }
0x135: {  	v20 =	vadd.s32 $0x21, v4;
	v21 =	vmul.f32 v21, v1;
	v26 =	vld.idx.msk [tilespmem:v26+s4+$0x0], $0xffff;
	v31 =	vmul.f32 v5, v15  }
0x136: {  	v30 =	vadd.s32 $0x442, v4;
	v5 =	vmul.f32 v6, v3;
	v32 =	vld.idx.msk [tilespmem:v9+s4+$0x0], $0xffff;
	v34 =	vmul.f32 v25, v10  }
0x137: {  	v38 =	vadd.s32 $0x11D24, v16;
	v25 =	vmul.f32 v25, v3;
	v28 =	vld.idx.msk [tilespmem:v28+s4+$0x0], $0xffff;
	v10 =	vmul.f32 v6, v10  }
0x138: {  	v55 =	vadd.s32 $0x11D03, v16;
	v19 =	vld.idx.msk [tilespmem:v19+s4+$0x0], $0xffff;
	v3 =	vmul.f32 v5, v11;
	v6 =	vmul.f32 v34, v33  }
0x139: {  	v29 =	vadd.f32 v7, v29;
	v27 =	vld.idx.msk [tilespmem:v27+s4+$0x0], $0xffff;
	v9 =	vmul.f32 v25, v33;
	v7 =	vmul.f32 v10, v33  }
0x13a: {  	v21 =	vadd.f32 v21, v8;
	v20 =	vld.idx.msk [tilespmem:v20+s4+$0x0], $0xffff;
	v10 =	vmul.f32 v10, v11;
	v5 =	vmul.f32 v5, v33  }
0x13b: {  	v50 =	vadd.s32 $0x11D25, v16;
	v30 =	vld.idx.msk [tilespmem:v30+s4+$0x0], $0xffff;
	v8 =	vmul.f32 v34, v11;
	v23 =	vmul.f32 v23, v17  }
0x13c: {  	v21 =	vadd.f32 v29, v21;
	v11 =	vmul.f32 v25, v11;
	v56 =	vmul.f32 $3.200000000e+01, v22  }
0x13d: {  	v24 =	vmul.f32 v6, v24;
	v32 =	vmul.f32 v32, v3;
	v23 =	vadd.f32 v23, v31  }
0x13e: {  	v54 =	vld [tilespmem:s16+$0x1B9C0];
	v25 =	vadd.s32 $0x118C2, v16;
	v28 =	vmul.f32 v7, v28;
	v26 =	vmul.f32 v5, v26  }
0x13f: {  	v19 =	vmul.f32 v8, v19;
	v20 =	vmul.f32 v9, v20;
	v18 =	vadd.f32 v18, v23  }
0x140: {  	v31 =	vld [tilespmem:s16+$0x1B4B0];
	v29 =	vmul.f32 v10, v30;
	v27 =	vmul.f32 v11, v27;
	v26 =	vadd.f32 v32, v26  }
0x141: {  	v19 =	vadd.f32 v19, v24;
	v18 =	vadd.f32 v18, v21;
	v21 =	vadd.s32 $0x118E3, v16  }
0x142: {  	v23 =	vadd.s32 $0x11D04, v16;
	v22 =	vadd.f32 v29, v28;
	v20 =	vadd.f32 v27, v20  }
0x143: {  	v35 =	vadd.s32 $0x8C62, v4;
	v30 =	vmul.f32 $3.200000000e+01, v54;
	v27 =	vtrunc.f32 v56  }
0x144: {  	v22 =	vadd.f32 v26, v22;
	v26 =	vcvt.f32.s32 v27;
	v19 =	vadd.f32 v20, v19;
	[tilespmem:s12+$0x1D840] =	vst v18  }
0x145: {  	v36 =	vadd.s32 $0x8C61, v4;
	v27 =	vadd.s32 $0x90C4, v4;
	v31 =	vmul.f32 $3.200000000e+01, v31;
	v24 =	vld.idx.msk [tilespmem:v25+s4+$0x0], $0xffff  }
0x146: {  	v18 =	vtrunc.f32 v30;
	vm1 =	vlt.s32 v26, $0x1F;
	v19 =	vadd.f32 v22, v19;
	v20 =	vld.idx.msk [tilespmem:v21+s4+$0x0], $0xffff  }
0x147: {  	v22 =	vadd.s32 $0x8C83, v4;
	v25 =	vtrunc.f32 v31;
	v23 =	vld.idx.msk [tilespmem:v23+s4+$0x0], $0xffff;
	v18 =	vcvt.f32.s32 v18  }
0x148: {  	v28 =	vld.idx.msk [tilespmem:v55+s4+$0x0], $0xffff;
	v26 =	vnsel vm1, $0x1F, v26;
	v25 =	vcvt.f32.s32 v25;
	v21 =	vadd.s32 $0x8C82, v4  }
0x149: {  	v29 =	vld.idx.msk [tilespmem:v38+s4+$0x0], $0xffff;
	v57 =	vmul.u32 $0x21, v26;
	[tilespmem:s13+$0x1D330] =	vst v19;
	v19 =	vcvt.s32.f32 v26;
	vm15 =	vlt.s32 v18, $0x1F  }
0x14a: {  	v26 =	vld.idx.msk [tilespmem:v36+s4+$0x0], $0xffff;
	vm14 =	vlt.s32 v25, $0x1F;
	v18 =	vnsel vm15, $0x1F, v18;
	v12 =	vmul.f32 v24, v12  }
0x14b: {  	v35 =	vld.idx.msk [tilespmem:v35+s4+$0x0], $0xffff;
	v24 =	vadd.s32 $0x90A2, v4;
	v14 =	vmul.f32 v20, v14;
	v20 =	vadd.s32 v18, v57  }
0x14c: {  	v25 =	vnsel vm14, $0x1F, v25;
	v17 =	vmul.f32 v23, v17;
	v23 =	vld.idx.msk [tilespmem:v22+s4+$0x0], $0xffff;
	v20 =	vmul.u32 $0x21, v20  }
0x14d: {  	v58 =	vmul.f32 v28, v15;
	v59 =	vcvt.s32.f32 v25;
	v28 =	vadd.s32 $0x90C3, v4;
	v21 =	vld.idx.msk [tilespmem:v21+s4+$0x0], $0xffff  }
0x14e: {  	v27 =	vld.idx.msk [tilespmem:v27+s4+$0x0], $0xffff;
	v15 =	vmul.f32 v29, v13;
	v13 =	vadd.s32 v25, v20;
	v20 =	vadd.s32 $0x90A3, v4  }
0x14f: {  	v32 =	vadd.s32 $0x118C3, v16;
	v19 =	vsub.f32 v56, v19;
	v18 =	vcvt.s32.f32 v18  }
0x150: {  	v45 =	vmul.f32 v26, v6;
	v33 =	vsub.f32 v31, v59;
	v61 =	vld.idx.msk [tilespmem:v24+s4+$0x0], $0xffff;
	v42 =	vadd.s32 $0x462, v13  }
0x151: {  	v31 =	vmul.f32 v35, v8;
	v18 =	vsub.f32 v30, v18;
	v25 =	vld.idx.msk [tilespmem:v37+s4+$0x0], $0xffff;
	v43 =	vadd.s32 $0x463, v13  }
0x152: {  	v28 =	vld.idx.msk [tilespmem:v28+s4+$0x0], $0xffff;
	v23 =	vmul.f32 v23, v11;
	v41 =	vadd.s32 $0x441, v13;
	v21 =	vmul.f32 v21, v9  }
0x153: {  	v30 =	vmul.f32 v27, v3;
	v60 =	vadd.s32 $0x1, v13;
	v40 =	vadd.s32 $0x22, v13;
	v20 =	vld.idx.msk [tilespmem:v20+s4+$0x0], $0xffff  }
0x154: {  	v62 =	vsub.f32 $1.000000000e+00, v18;
	v48 =	vmul.f32 v19, v18;
	v29 =	vadd.f32 v23, v21;
	v46 =	vld.idx.msk [tilespmem:v13+s4+$0x0], $0xffff  }
0x155: {  	v39 =	vadd.s32 $0x21, v13;
	v23 =	vadd.f32 v17, v58;
	v17 =	vsub.f32 $1.000000000e+00, v19;
	v34 =	vld.idx.msk [tilespmem:v42+s4+$0x0], $0xffff  }
0x156: {  	v51 =	vsub.f32 $1.000000000e+00, v33;
	v27 =	vadd.s32 $0x11D24, v4;
	v26 =	vmul.f32 v48, v33;
	v49 =	vld.idx.msk [tilespmem:v43+s4+$0x0], $0xffff  }
0x157: {  	v44 =	vadd.s32 $0x442, v13;
	v38 =	vmul.f32 v17, v62;
	v35 =	vmul.f32 v17, v18;
	v41 =	vld.idx.msk [tilespmem:v41+s4+$0x0], $0xffff  }
0x158: {  	v22 =	vadd.s32 $0x8C62, v13;
	v47 =	vmul.f32 v61, v7;
	v18 =	vmul.f32 v19, v62;
	v37 =	vld.idx.msk [tilespmem:v60+s4+$0x0], $0xffff  }
0x159: {  	v24 =	vadd.s32 $0x8C61, v13;
	v36 =	vld.idx.msk [tilespmem:v40+s4+$0x0], $0xffff;
	v21 =	vmul.f32 v38, v51;
	v16 =	vmul.f32 v35, v51  }
0x15a: {  	v19 =	vadd.s32 $0x118E4, v4;
	v43 =	vld.idx.msk [tilespmem:v39+s4+$0x0], $0xffff;
	v17 =	vmul.f32 v18, v51;
	v63 =	vmul.f32 v20, v10  }
0x15b: {  	v40 =	vadd.f32 v31, v45;
	v31 =	vld.idx.msk [tilespmem:v50+s4+$0x0], $0xffff;
	v18 =	vmul.f32 v18, v33;
	v42 =	vmul.f32 v21, v46  }
0x15c: {  	s7 =	simm.s32 $0xC0;
	v44 =	vld.idx.msk [tilespmem:v44+s4+$0x0], $0xffff;
	v20 =	vmul.f32 v48, v51;
	v45 =	vmul.f32 v49, v26;
	v39 =	vadd.f32 v63, v47  }
.LBB2_9:
0x15d: {  	s23 =	sshra.s32 s7, $0x2;
	p0 =	sne.s32 s7, $0x1400;
	s7 =	sadd.s32 $0x40, s7;
	v41 =	vmul.f32 v17, v41;
	v28 =	vmul.f32 v28, v5;
	v46 =	vadd.s32 $0x11D03, v4  }
0x15e: {  	v38 =	vmul.f32 v38, v33;
	v29 =	vadd.f32 v29, v40;
	v40 =	vadd.s32 $0x11D04, v4;
	v47 =	vld [tilespmem:s23+$0x1B9C0]  }
0x15f: {  	v25 =	vmul.f32 v25, v2;
	v2 =	vmovc v11;
	v34 =	vmul.f32 v20, v34;
	v48 =	vld [tilespmem:s23+$0x1B4B0];
	v28 =	vadd.f32 v30, v28  }
0x160: {  	v30 =	vmul.f32 v38, v37;
	v37 =	vmul.f32 v16, v43;
	v43 =	vadd.s32 $0x118C2, v4  }
0x161: {  	v11 =	vmul.f32 v35, v33;
	v33 =	vadd.f32 v45, v34;
	v49 =	vld [tilespmem:s23+$0x1BED0];
	v28 =	vadd.f32 v28, v39  }
0x162: {  	v31 =	vmul.f32 v31, v0;
	v30 =	vadd.f32 v30, v42;
	v34 =	vmul.f32 v18, v44;
	v32 =	vld.idx.msk [tilespmem:v32+s4+$0x0], $0xffff  }
0x163: {  	v35 =	vmul.f32 v11, v36;
	v0 =	vmovc v3;
	v3 =	vmovc v26;
	v28 =	vadd.f32 v28, v29;
	v29 =	vadd.s32 $0x118E3, v4  }
0x164: {  	v25 =	vadd.f32 v25, v14;
	v14 =	vadd.f32 v31, v15;
	v26 =	vmul.f32 $3.200000000e+01, v47  }
0x165: {  	v15 =	vadd.f32 v35, v37;
	v34 =	vadd.f32 v34, v41;
	v31 =	vmul.f32 $3.200000000e+01, v48;
	[tilespmem:s13+$0x1D840] =	vst v28  }
0x166: {  	v23 =	vadd.f32 v14, v23;
	v28 =	vtrunc.f32 v26;
	v35 =	vmul.f32 $3.200000000e+01, v49;
	v36 =	vld.idx.msk [tilespmem:v43+s4+$0x0], $0xffff  }
0x167: {  	v33 =	vadd.f32 v33, v34;
	v34 =	vadd.s32 $0x90C4, v13;
	v14 =	vtrunc.f32 v31;
	v37 =	vld.idx.msk [tilespmem:v40+s4+$0x0], $0xffff  }
0x168: {  	v15 =	vadd.f32 v15, v30;
	v14 =	vcvt.f32.s32 v14;
	v39 =	vtrunc.f32 v35;
	v29 =	vld.idx.msk [tilespmem:v29+s4+$0x0], $0xffff  }
0x169: {  	v28 =	vcvt.f32.s32 v28;
	v30 =	vcvt.f32.s32 v39;
	v39 =	vadd.s32 $0x8C82, v13;
	v40 =	vld.idx.msk [tilespmem:v46+s4+$0x0], $0xffff  }
0x16a: {  	v15 =	vadd.f32 v33, v15;
	v33 =	vadd.s32 $0x8C83, v13;
	vm0 =	vlt.s32 v14, $0x1F  }
0x16b: {  	v41 =	vnsel vm0, $0x1F, v14;
	vm0 =	vlt.s32 v28, $0x1F;
	vm1 =	vlt.s32 v30, $0x1F;
	v27 =	vld.idx.msk [tilespmem:v27+s4+$0x0], $0xffff  }
0x16c: {  	v14 =	vnsel vm1, $0x1F, v30;
	[tilespmem:s16+$0x1D330] =	vst v15;
	v15 =	vmul.f32 v36, v6;
	v30 =	vmul.f32 v32, v1;
	v1 =	vmovc v8  }
0x16d: {  	v28 =	vnsel vm0, $0x1F, v28;
	v8 =	vmovc v38;
	v6 =	vmovc v21;
	v32 =	vcvt.s32.f32 v14;
	v36 =	vmul.u32 $0x21, v14;
	v42 =	vld.idx.msk [tilespmem:v24+s4+$0x0], $0xffff  }
0x16e: {  	v14 =	vmul.f32 v29, v9;
	v21 =	vld.idx.msk [tilespmem:v22+s4+$0x0], $0xffff;
	v22 =	vadd.s32 $0x90A2, v13;
	v38 =	vadd.f32 v30, v12;
	v12 =	vmovc v15  }
0x16f: {  	v37 =	vmul.f32 v37, v10;
	v15 =	vadd.s32 v28, v36;
	v29 =	vld.idx.msk [tilespmem:v39+s4+$0x0], $0xffff;
	v36 =	vmul.f32 v40, v7  }
0x170: {  	v24 =	vcvt.s32.f32 v28;
	v9 =	vmovc v16;
	v7 =	vmovc v17;
	v28 =	vmul.u32 $0x21, v15;
	v30 =	vld.idx.msk [tilespmem:v33+s4+$0x0], $0xffff;
	v25 =	vadd.f32 v25, v38  }
0x171: {  	v10 =	vmovc v18;
	v16 =	vcvt.s32.f32 v41;
	v17 =	vadd.s32 $0x90C3, v13;
	v15 =	vmul.f32 v27, v5;
	v5 =	vmovc v20  }
0x172: {  	v20 =	vadd.s32 $0x90A3, v13;
	v18 =	vadd.s32 v41, v28;
	v27 =	vld.idx.msk [tilespmem:v34+s4+$0x0], $0xffff;
	v23 =	vadd.f32 v23, v25  }
0x173: {  	v39 =	vadd.s32 $0x1, v18;
	v40 =	vadd.s32 $0x21, v18;
	v43 =	vadd.s32 $0x22, v18;
	v38 =	vld.idx.msk [tilespmem:v22+s4+$0x0], $0xffff  }
0x174: {  	v41 =	vadd.s32 $0x441, v18;
	v44 =	vadd.s32 $0x442, v18;
	v34 =	vadd.s32 $0x462, v18;
	[tilespmem:s12+$0x1DD50] =	vst v23;
	s12 =	smov.u32 s13;
	s13 =	smov.u32 s16;
	s16 =	smov.u32 s23  }
0x175: {  	v26 =	vsub.f32 v26, v24;
	v45 =	vadd.s32 $0x463, v18;
	v22 =	vadd.s32 $0x8C62, v18;
	v25 =	vld.idx.msk [tilespmem:v19+s4+$0x0], $0xffff  }
0x176: {  	v24 =	vadd.s32 $0x8C61, v18;
	v19 =	vmul.f32 v30, v11;
	v28 =	vld.idx.msk [tilespmem:v17+s4+$0x0], $0xffff;
	v17 =	vmul.f32 v29, v9  }
0x177: {  	v32 =	vsub.f32 v35, v32;
	v46 =	vsub.f32 $1.000000000e+00, v26;
	v47 =	vmul.f32 v42, v6;
	v20 =	vld.idx.msk [tilespmem:v20+s4+$0x0], $0xffff  }
0x178: {  	v23 =	vadd.f32 v37, v36;
	v30 =	vmul.f32 v27, v3;
	v42 =	vld.idx.msk [tilespmem:v18+s4+$0x0], $0xffff;
	v29 =	vadd.f32 v19, v17  }
0x179: {  	v33 =	vsub.f32 v31, v16;
	v16 =	vsub.f32 $1.000000000e+00, v32;
	v48 =	vmul.f32 v38, v7;
	v34 =	vld.idx.msk [tilespmem:v34+s4+$0x0], $0xffff  }
0x17a: {  	v50 =	vadd.s32 $0x11D25, v4;
	v49 =	vmul.f32 v32, v26;
	v31 =	vmul.f32 v21, v8;
	v45 =	vld.idx.msk [tilespmem:v45+s4+$0x0], $0xffff  }
0x17b: {  	v51 =	vsub.f32 $1.000000000e+00, v33;
	v35 =	vmul.f32 v16, v26;
	v38 =	vmul.f32 v16, v46;
	v41 =	vld.idx.msk [tilespmem:v41+s4+$0x0], $0xffff  }
.Ltmp6:
0x17c: {  	v26 =	vmul.f32 v49, v33;
	v46 =	vmul.f32 v32, v46;
	v32 =	vadd.s32 $0x118C3, v4;
	v4 =	vmovc v13;
	v37 =	vld.idx.msk [tilespmem:v39+s4+$0x0], $0xffff;
	(pc) =	sbr.rel @p0 .LBB2_9-.Ltmp6, $4  }
0x17d: {  	v16 =	vmul.f32 v35, v51;
	v13 =	vmovc v18;
	v19 =	vadd.s32 $0x118E4, v4;
	v21 =	vmul.f32 v38, v51;
	v36 =	vld.idx.msk [tilespmem:v43+s4+$0x0], $0xffff  }
0x17e: {  	v27 =	vadd.s32 $0x11D24, v4;
	v17 =	vmul.f32 v46, v51;
	v39 =	vmul.f32 v20, v10;
	v43 =	vld.idx.msk [tilespmem:v40+s4+$0x0], $0xffff  }
0x17f: {  	v18 =	vmul.f32 v46, v33;
	v42 =	vmul.f32 v21, v42;
	v40 =	vadd.f32 v31, v47;
	v31 =	vld.idx.msk [tilespmem:v50+s4+$0x0], $0xffff  }
0x180: {  	v20 =	vmul.f32 v49, v51;
	v39 =	vadd.f32 v39, v48;
	v45 =	vmul.f32 v45, v26;
	v44 =	vld.idx.msk [tilespmem:v44+s4+$0x0], $0xffff  }
0x181: {  	_ = 	snop  }
0x182: {  	v41 =	vmul.f32 v17, v41;
	v38 =	vmul.f32 v38, v33  }
0x183: {  	v33 =	vmul.f32 v35, v33;
	v34 =	vmul.f32 v20, v34  }
0x184: {  	v54 =	vmul.f32 v38, v37;
	v55 =	vmul.f32 v16, v43  }
0x185: {  	v36 =	vmul.f32 v33, v36;
	v56 =	vmul.f32 v18, v44  }
0x186: {  	v34 =	vadd.f32 v45, v34;
	v35 =	vadd.f32 v54, v42  }
0x187: {  	v36 =	vadd.f32 v36, v55;
	v57 =	vadd.f32 v56, v41;
	_ =	sdelay $0x1  }
0x188: {  	v35 =	vadd.f32 v36, v35;
	v34 =	vadd.f32 v34, v57;
	_ =	sdelay $0x1  }
0x189: {  	v58 =	vadd.s32 $0x8C82, v13;
	v34 =	vadd.f32 v34, v35  }
0x18a: {  	v59 =	vadd.s32 $0x8C83, v13  }
0x18b: {  	v60 =	vadd.s32 $0x90C4, v13;
	[tilespmem:s16+$0x1D330] =	vst v34  }
0x18c: {  	v61 =	vadd.s32 $0x90A2, v13;
	v24 =	vld.idx.msk [tilespmem:v24+s4+$0x0], $0xffff  }
0x18d: {  	v62 =	vadd.s32 $0x90C3, v13;
	v22 =	vld.idx.msk [tilespmem:v22+s4+$0x0], $0xffff  }
0x18e: {  	v63 =	vadd.s32 $0x90A3, v13;
	v36 =	vld.idx.msk [tilespmem:v58+s4+$0x0], $0xffff  }
0x18f: {  	v35 =	vld.idx.msk [tilespmem:v59+s4+$0x0], $0xffff  }
0x190: {  	v28 =	vmul.f32 v28, v5;
	v37 =	vld.idx.msk [tilespmem:v60+s4+$0x0], $0xffff  }
0x191: {  	v45 =	vld.idx.msk [tilespmem:v61+s4+$0x0], $0xffff  }
0x192: {  	v28 =	vadd.f32 v30, v28;
	v46 =	vld.idx.msk [tilespmem:v62+s4+$0x0], $0xffff  }
0x193: {  	v47 =	vld.idx.msk [tilespmem:v63+s4+$0x0], $0xffff  }
0x194: {  	v29 =	vadd.f32 v29, v40;
	v49 =	vadd.s32 $0x118C2, v4;
	v28 =	vadd.f32 v28, v39  }
0x195: {  	v48 =	vadd.s32 $0x11D04, v4;
	v50 =	vmul.f32 v36, v16;
	v35 =	vmul.f32 v35, v33  }
0x196: {  	v28 =	vadd.f32 v28, v29;
	v24 =	vmul.f32 v24, v21;
	v37 =	vmul.f32 v37, v26  }
0x197: {  	v30 =	vmul.f32 v45, v17;
	v22 =	vmul.f32 v22, v38  }
0x198: {  	v51 =	vadd.s32 $0x118E3, v4;
	v32 =	vld.idx.msk [tilespmem:v32+s4+$0x0], $0xffff;
	[tilespmem:s13+$0x1D840] =	vst v28;
	v53 =	vmul.f32 v47, v18;
	v34 =	vmul.f32 v46, v20  }
0x199: {  	v52 =	vadd.s32 $0x11D03, v4;
	v54 =	vld.idx.msk [tilespmem:v49+s4+$0x0], $0xffff;
	v29 =	vadd.f32 v35, v50;
	v22 =	vadd.f32 v22, v24  }
0x19a: {  	v55 =	vld.idx.msk [tilespmem:v48+s4+$0x0], $0xffff;
	v59 =	vadd.s32 $0x118C3, v4;
	v28 =	vadd.f32 v53, v30;
	v57 =	vadd.f32 v37, v34  }
0x19b: {  	v56 =	vadd.s32 $0x11D25, v4;
	v27 =	vld.idx.msk [tilespmem:v27+s4+$0x0], $0xffff  }
0x19c: {  	v19 =	vld.idx.msk [tilespmem:v19+s4+$0x0], $0xffff;
	v61 =	vadd.s32 $0x118C2, v13;
	v22 =	vadd.f32 v29, v22;
	v28 =	vadd.f32 v57, v28  }
0x19d: {  	v58 =	vld.idx.msk [tilespmem:v51+s4+$0x0], $0xffff;
	v62 =	vadd.s32 $0x11D04, v13  }
0x19e: {  	v60 =	vld.idx.msk [tilespmem:v52+s4+$0x0], $0xffff;
	v63 =	vadd.s32 $0x118E3, v13;
	v22 =	vadd.f32 v28, v22  }
0x19f: {  	v44 =	vadd.s32 $0x11D03, v13;
	v4 =	vld.idx.msk [tilespmem:v59+s4+$0x0], $0xffff  }
0x1a0: {  	v45 =	vadd.s32 $0x11D24, v13;
	v35 =	vld.idx.msk [tilespmem:v56+s4+$0x0], $0xffff;
	[tilespmem:s16+$0x1D840] =	vst v22  }
0x1a1: {  	v46 =	vadd.s32 $0x118E4, v13;
	v29 =	vld.idx.msk [tilespmem:v61+s4+$0x0], $0xffff  }
0x1a2: {  	v0 =	vmul.f32 v31, v0;
	v47 =	vadd.s32 $0x11D25, v13;
	v30 =	vld.idx.msk [tilespmem:v62+s4+$0x0], $0xffff  }
0x1a3: {  	v2 =	vmul.f32 v25, v2;
	v1 =	vmul.f32 v32, v1;
	v49 =	vadd.s32 $0x118C3, v13;
	v48 =	vld.idx.msk [tilespmem:v63+s4+$0x0], $0xffff  }
0x1a4: {  	v0 =	vadd.f32 v0, v15;
	v50 =	vld.idx.msk [tilespmem:v44+s4+$0x0], $0xffff  }
0x1a5: {  	v2 =	vadd.f32 v2, v14;
	v1 =	vadd.f32 v1, v12;
	v51 =	vld.idx.msk [tilespmem:v45+s4+$0x0], $0xffff  }
0x1a6: {  	v0 =	vadd.f32 v0, v23;
	v6 =	vmul.f32 v54, v6;
	v10 =	vmul.f32 v55, v10;
	v52 =	vld.idx.msk [tilespmem:v46+s4+$0x0], $0xffff  }
0x1a7: {  	v1 =	vadd.f32 v2, v1;
	v54 =	vmul.f32 v27, v5;
	v11 =	vmul.f32 v19, v11;
	v53 =	vld.idx.msk [tilespmem:v47+s4+$0x0], $0xffff  }
0x1a8: {  	v9 =	vmul.f32 v58, v9;
	v7 =	vmul.f32 v60, v7;
	v13 =	vld.idx.msk [tilespmem:v49+s4+$0x0], $0xffff  }
0x1a9: {  	v0 =	vadd.f32 v0, v1;
	v4 =	vmul.f32 v4, v8;
	v55 =	vmul.f32 v35, v3  }
0x1aa: {  	v7 =	vadd.f32 v10, v7;
	v56 =	vmul.f32 v29, v21;
	v57 =	vmul.f32 v48, v16  }
0x1ab: {  	v9 =	vadd.f32 v11, v9;
	v58 =	vmul.f32 v50, v17;
	v59 =	vmul.f32 v30, v18  }
0x1ac: {  	v4 =	vadd.f32 v4, v6;
	v60 =	vmul.f32 v51, v20;
	v61 =	vmul.f32 v52, v33  }
0x1ad: {  	v1 =	vadd.f32 v55, v54;
	v2 =	vmul.f32 v53, v26;
	v62 =	vmul.f32 v13, v38  }
0x1ae: {  	v10 =	vadd.f32 v59, v58;
	v8 =	vadd.f32 v61, v57  }
0x1af: {  	v2 =	vadd.f32 v2, v60;
	v3 =	vadd.f32 v62, v56  }
0x1b0: {  	v4 =	vadd.f32 v9, v4;
	v1 =	vadd.f32 v1, v7  }
0x1b1: {  	v2 =	vadd.f32 v2, v10;
	v3 =	vadd.f32 v8, v3  }
0x1b2: {  	v1 =	vadd.f32 v1, v4  }
0x1b3: {  	s7 =	sadd.s32 s11, s8;
	[tilespmem:s12+$0x1DD50] =	vst v0;
	v63 =	vadd.f32 v2, v3  }
0x1b4: {  	s7 =	sshrl.u32 s7, $0x3;
	[tilespmem:s13+$0x1DD50] =	vst v1  }
0x1b5: {  	p0 =	seq.s32 s10, $0x18;
	s7 =	sadd.s32 s6, s7;
	[tilespmem:s16+$0x1DD50] =	vst v63  }
0x1b6: {  	[hbm4b:s7+s4] =	stream.linear.scatter [tilespmem:s31], [sflag:$0x4], $0x510, $0x38;
	[tilespmem:$0x1E280] =	vst v63  }
.Ltmp7:
0x1b7: {  	_ = 	snop;
	(pc) =	sbr.rel @p0 .LBB2_12-.Ltmp7, $4  }
0x1b8: {  	s23 =	sadd.s32 $0x3F480, s7  }
0x1b9: {  	[hbm4b:s23+s4] =	stream.linear.scatter [tilespmem:s1], [sflag:$0x4], $0x510, $0x38;
	[tilespmem:$0x1E280] =	vst v63  }
0x1ba: {  	s7 =	sadd.s32 $0x7E900, s7  }
0x1bb: {  	[hbm4b:s7+s4] =	stream.linear.scatter [tilespmem:s0], [sflag:$0x4], $0x510, $0x38;
	[tilespmem:$0x1E280] =	vst v63  }
0x1bc: {  	s7 =	sadd.s32 s11, s15  }
0x1bd: {  	s7 =	sshrl.u32 s7, $0x3  }
0x1be: {  	s7 =	sadd.s32 s2, s7  }
0x1bf: {  	[tilespmem:s20], [sflag:$0x2] =	stream.linear.gather [hbm4b:s7+s4], $0x510, $0x38;
	[tilespmem:$0x1E280] =	vst v63  }
.Ltmp8:
0x1c0: {  	_ = 	snop;
	(pc) =	sbr.rel .LBB2_2-.Ltmp8, $4  }
0x1c1: {  	s23 =	sadd.s32 $0x3F480, s7  }
0x1c2: {  	[tilespmem:s21], [sflag:$0x2] =	stream.linear.gather [hbm4b:s23+s4], $0x510, $0x38;
	[tilespmem:$0x1E280] =	vst v63  }
0x1c3: {  	s10 =	sadd.s32 $0x1, s10;
	s7 =	sadd.s32 $0x7E900, s7  }
0x1c4: {  	[tilespmem:s22], [sflag:$0x2] =	stream.linear.gather [hbm4b:s7+s4], $0x510, $0x38;
	[tilespmem:$0x1E280] =	vst v63  }
.LBB2_13:
0x1c5: {  	_ =	sfence.sel $0x180000  }
0x1c6: {  	[bflag:$0x0] =	sbarrier.arrive $0xFFFF  }
0x1c7: {  	_ =	strace $0x90000047  }
0x1c8: {  	s0 =	stileid.u32;
	[bflag:$0x2] =	sbarrier.arrive $0xFFFF  }
0x1c9: {  	p0 =	sne.s32 s0, $0x0;
	s0 =	rddreg [dreg:$0x2]  }
0x1ca: {  	s0 =	sadd.s32 @!p0 $0x100000, s0  }
0x1cb: {  	[sflag:s0] =	ssyncadd.tile.s32 @!p0 $0x1;
	_ =	shalt  }
.Lfunc_end2:
_tile_overlayer_lowered:
.L_overlay_start_2:
0x1cc: {  	(tag) =	ssettag $0x2  }
0x1cd: {  	s0 =	rddreg [dreg:$0x0];
	s2 =	stileid.u32  }
0x1ce: {  	s1 =	rddreg [dreg:$0x1];
	p0 =	sne.s32 s2, $0x0  }
0x1cf: {  	s3 =	rddreg [dreg:$0x2];
	[bflag:$0x3] =	sbarrier.arrive $0xFFFF;
	s2 =	simm.s32 @!p0 $0x1C06  }
0x1d0: {  	[timem:s3], [sflag:s2] =	dma.local @!p0 [hbm:s0], s1  }
0x1d1: {  	s0 =	simm.s32 @!p0 $0x6  }
0x1d2: {  	_ =	swait.ge @!p0 [sflag:s0], s1  }
0x1d3: {  	s1 =	ssub.s32 @!p0 $0x0, s1;
	[sflag:s0] =	ssyncset.done @!p0 $0x0  }
0x1d4: {  	[sflag:s0] =	ssyncadd.s32 @!p0 s1  }
0x1d5: {  	[bflag:$0x3] =	sbarrier.arrive $0xFFFF  }
0x1d6: {  	_ =	shalt  }

</sc_bundles>
